<compile_context>
chip_gen: v7x
topology: tpu7x:2x2x1
jax: 0.10.2.dev20260603
libtpu: 0.0.44.dev20260713+nightly
codegen_flags: <defaults>
</compile_context>

<pallas_src>
import functools

import jax
import jax.numpy as jnp
from jax import lax
from jax.experimental import pallas as pl
from jax.experimental.pallas import tpu as pltpu
from jax.experimental.pallas import tpu_sc as plsc

NC = 2
NS = 16
NW = NC * NS
SCHUNK = 128
LANES = 16



def _make_sc_degree(n_pad, e_pad):
    ept = e_pad // NW
    nchunks = ept // SCHUNK
    mesh = plsc.VectorSubcoreMesh(core_axis_name="c", subcore_axis_name="s")

    @functools.partial(
        pl.kernel,
        out_type=jax.ShapeDtypeStruct((NW * n_pad,), jnp.float32),
        mesh=mesh,
        compiler_params=pltpu.CompilerParams(needs_layout_passes=False),
        scratch_types=[
            pltpu.VMEM((n_pad,), jnp.float32),
            pltpu.VMEM((SCHUNK,), jnp.int32),
        ],
    )
    def deg_kernel(dstp_hbm, z1_hbm, out_hbm, hist, idx_d):
        cid = lax.axis_index("c")
        sid = lax.axis_index("s")
        wid = sid * NC + cid
        pltpu.sync_copy(z1_hbm, hist)
        base = wid * ept
        ones = jnp.ones((LANES,), jnp.float32)

        def body(c, carry):
            pltpu.sync_copy(dstp_hbm.at[pl.ds(base + c * SCHUNK, SCHUNK)], idx_d)
            for j in range(SCHUNK // LANES):
                d = idx_d[pl.ds(j * LANES, LANES)]
                plsc.addupdate_scatter(hist, [d], ones)
            return carry

        lax.fori_loop(0, nchunks, body, 0)
        pltpu.sync_copy(hist, out_hbm.at[pl.ds(wid * n_pad, n_pad)])

    return deg_kernel


def _make_sc_scatter(n, n_pad, e_pad, h):
    ept = e_pad // NW
    nchunks = ept // SCHUNK
    stripe = n_pad // NS
    stripe_chunks = stripe // SCHUNK
    total_chunks = e_pad // SCHUNK
    per_tile = total_chunks // NS
    q0 = total_chunks * 3 // (4 * NS)
    q1 = per_tile - q0
    mesh = plsc.VectorSubcoreMesh(core_axis_name="c", subcore_axis_name="s")

    @functools.partial(
        pl.kernel,
        out_type=jax.ShapeDtypeStruct((NC * n_pad, h), jnp.float32),
        mesh=mesh,
        compiler_params=pltpu.CompilerParams(needs_layout_passes=False),
        scratch_types=[
            pltpu.VMEM((SCHUNK,), jnp.int32),
            pltpu.VMEM((SCHUNK,), jnp.int32),
            pltpu.VMEM((SCHUNK, h), jnp.float32),
            pltpu.VMEM_SHARED((n_pad, h), jnp.float32),
            pltpu.SemaphoreType.DMA,
        ],
    )
    def scatter_kernel(m_hbm, srcp_hbm, dstp_hbm, z_hbm, out_hbm,
                       idx_s, idx_d, rows, acc, sem):
        cid = lax.axis_index("c")
        sid = lax.axis_index("s")
        pltpu.sync_copy(z_hbm, rows)
        for k in range(stripe_chunks):
            pltpu.sync_copy(rows, acc.at[pl.ds(sid * stripe + k * SCHUNK, SCHUNK)])
        plsc.subcore_barrier()
        my_chunks = jnp.where(cid == 0, q0, q1)
        cbase = jnp.where(cid == 0, sid * q0, NS * q0 + sid * q1)
        base = cbase * SCHUNK

        def body(c, carry):
            eb = base + c * SCHUNK
            pltpu.sync_copy(srcp_hbm.at[pl.ds(eb, SCHUNK)], idx_s)
            pltpu.sync_copy(dstp_hbm.at[pl.ds(eb, SCHUNK)], idx_d)
            pltpu.async_copy(m_hbm.at[idx_s], rows, sem).wait()
            pltpu.sync_copy(rows, acc.at[idx_d], add=True)
            return carry

        lax.fori_loop(0, my_chunks, body, 0)
        plsc.subcore_barrier()
        for k in range(stripe_chunks):
            r0_ = sid * stripe + k * SCHUNK
            pltpu.sync_copy(acc.at[pl.ds(r0_, SCHUNK)],
                            out_hbm.at[pl.ds(cid * n_pad + r0_, SCHUNK)])

    return scatter_kernel



def _tc_dinv(degp):
    nw, nr, w = degp.shape

    def body(deg_ref, out_ref):
        out_ref[...] = lax.rsqrt(jnp.sum(deg_ref[...], axis=0) + 1.0)

    return pl.pallas_call(
        body, out_shape=jax.ShapeDtypeStruct((nr, w), jnp.float32))(degp)


def _tc_scale_matmul(x, w, dinv, blk):
    n, d = x.shape
    h = w.shape[1]
    grid = n // blk

    def body(x_ref, w_ref, s_ref, out_ref):
        out_ref[...] = s_ref[...] * jnp.dot(
            x_ref[...], w_ref[...], preferred_element_type=jnp.float32)

    return pl.pallas_call(
        body,
        grid=(grid,),
        in_specs=[
            pl.BlockSpec((blk, d), lambda i: (i, 0)),
            pl.BlockSpec((d, h), lambda i: (0, 0)),
            pl.BlockSpec((blk, 1), lambda i: (i, 0)),
        ],
        out_specs=pl.BlockSpec((blk, h), lambda i: (i, 0)),
        out_shape=jax.ShapeDtypeStruct((n, h), jnp.float32),
    )(x, w, dinv)


def _tc_post1(S, m, dinv, b, w2, blk):
    n, h = m.shape
    h2 = w2.shape[1]
    grid = n // blk

    def body(s_ref, m_ref, d_ref, b_ref, w_ref, out_ref):
        agg = s_ref[0] + s_ref[1] + m_ref[...]
        a = jnp.maximum(d_ref[...] * agg + b_ref[...], 0.0)
        out_ref[...] = d_ref[...] * jnp.dot(
            a, w_ref[...], preferred_element_type=jnp.float32)

    return pl.pallas_call(
        body,
        grid=(grid,),
        in_specs=[
            pl.BlockSpec((2, blk, h), lambda i: (0, i, 0)),
            pl.BlockSpec((blk, h), lambda i: (i, 0)),
            pl.BlockSpec((blk, 1), lambda i: (i, 0)),
            pl.BlockSpec((1, h), lambda i: (0, 0)),
            pl.BlockSpec((h, h2), lambda i: (0, 0)),
        ],
        out_specs=pl.BlockSpec((blk, h2), lambda i: (i, 0)),
        out_shape=jax.ShapeDtypeStruct((n, h2), jnp.float32),
    )(S, m, dinv, b, w2)


def _tc_post2(S, m, dinv, b, wlT, bl, blk):
    n, h = m.shape
    a_dim = wlT.shape[1]
    grid = n // blk

    def body(s_ref, m_ref, d_ref, b_ref, w_ref, bl_ref, out_ref, sacc, macc):
        i = pl.program_id(0)
        agg = s_ref[0] + s_ref[1] + m_ref[...]
        a = jnp.maximum(d_ref[...] * agg + b_ref[...], 0.0)
        bs = jnp.sum(a, axis=0, keepdims=True)
        bm = jnp.max(a, axis=0, keepdims=True)

        @pl.when(i == 0)
        def _():
            sacc[...] = bs
            macc[...] = bm

        @pl.when(i > 0)
        def _():
            sacc[...] = sacc[...] + bs
            macc[...] = jnp.maximum(macc[...], bm)

        @pl.when(i == grid - 1)
        def _():
            s = sacc[...]
            mx = macc[...]
            mean = s * (1.0 / n)
            out_ref[...] = (
                jnp.dot(mean, w_ref[0:h, :], preferred_element_type=jnp.float32)
                + jnp.dot(mx, w_ref[h:2 * h, :], preferred_element_type=jnp.float32)
                + jnp.dot(s, w_ref[2 * h:3 * h, :], preferred_element_type=jnp.float32)
                + bl_ref[...])

    return pl.pallas_call(
        body,
        grid=(grid,),
        in_specs=[
            pl.BlockSpec((2, blk, h), lambda i: (0, i, 0)),
            pl.BlockSpec((blk, h), lambda i: (i, 0)),
            pl.BlockSpec((blk, 1), lambda i: (i, 0)),
            pl.BlockSpec((1, h), lambda i: (0, 0)),
            pl.BlockSpec((3 * h, a_dim), lambda i: (0, 0)),
            pl.BlockSpec((1, a_dim), lambda i: (0, 0)),
        ],
        out_specs=pl.BlockSpec((1, a_dim), lambda i: (0, 0)),
        out_shape=jax.ShapeDtypeStruct((1, a_dim), jnp.float32),
        scratch_shapes=[
            pltpu.VMEM((1, h), jnp.float32),
            pltpu.VMEM((1, h), jnp.float32),
        ],
    )(S, m, dinv, b, wlT, bl)



def kernel(x, edge_index, pos, W1, b1, W2, b2, Wl, bl):
    n, d = x.shape
    h = W1.shape[1]
    e = edge_index.shape[1]
    gran = NS * SCHUNK
    n_pad = ((n + 1 + gran - 1) // gran) * gran
    egran = NW * SCHUNK
    e_pad = ((e + egran - 1) // egran) * egran
    nchunks = e_pad // NW // SCHUNK

    src = edge_index[0]
    dst = edge_index[1]
    padn = e_pad - e
    srcp = jnp.concatenate([src, jnp.zeros((padn,), jnp.int32)])
    dstp = jnp.concatenate([dst, jnp.full((padn,), n, jnp.int32)])
    z1 = jnp.zeros((n_pad,), jnp.float32)
    z = jnp.zeros((SCHUNK, h), jnp.float32)

    degp = _make_sc_degree(n_pad, e_pad)(dstp, z1)
    dinv2 = _tc_dinv(degp.reshape(NW, n_pad // 128, 128))
    dinv = dinv2.reshape(-1)[:n].reshape(n, 1)

    blk = 1000 if n % 1000 == 0 else 8
    sc_scatter = _make_sc_scatter(n, n_pad, e_pad, h)

    m1 = _tc_scale_matmul(x, W1, dinv, blk)
    S1 = sc_scatter(m1, srcp, dstp, z).reshape(NC, n_pad, h)
    m2 = _tc_post1(S1, m1, dinv, b1.reshape(1, h), W2, blk)
    S2 = sc_scatter(m2, srcp, dstp, z).reshape(NC, n_pad, h)
    out = _tc_post2(S2, m2, dinv, b2.reshape(1, h), Wl.T, bl.reshape(1, -1), blk)
    return out

# --- scband reference (transcript-rebuilt; emitter-appended) ---
"""Pipeline reference for scband-qfunction-25632364822817 (READ-ONLY COPY).

The authoritative reference and input builder live on the scoring server;
editing this copy changes nothing except your own understanding.
"""

import jax, jax.numpy as jnp
import numpy as np

N = 10000
E = 320000
D = 128
H = 128
A = 16


def glorot(key, shape):
    fan_in, fan_out = shape[0], shape[1]
    limit = np.sqrt(6.0 / (fan_in + fan_out))
    return jax.random.uniform(key, shape, dtype=jnp.float32, minval=-limit, maxval=limit)


def setup_inputs(seed: int = 0) -> dict:
    key = jax.random.key(seed)
    ks = jax.random.split(key, 8)
    x = jax.random.normal(ks[0], (N, D), dtype=jnp.float32)
    edge_index = jax.random.randint(ks[1], (2, E), 0, N, dtype=jnp.int32)
    pos = jax.random.normal(ks[2], (N, 3), dtype=jnp.float32)
    W1 = glorot(ks[3], (D, H))
    b1 = jnp.zeros((H,), dtype=jnp.float32)
    W2 = glorot(ks[4], (H, H))
    b2 = jnp.zeros((H,), dtype=jnp.float32)
    Wl = glorot(ks[5], (A, 3 * H))
    bl = jnp.zeros((A,), dtype=jnp.float32)
    return {"x": x, "edge_index": edge_index, "pos": pos, "W1": W1, "b1": b1, "W2": W2, "b2": b2, "Wl": Wl, "bl": bl}


def gcn_conv(x, src, dst, W, b, num_nodes):
    # PyG GCNConv: lin -> add self loops -> sym-normalized scatter-add -> + bias
    loop = jnp.arange(num_nodes, dtype=src.dtype)
    s = jnp.concatenate([src, loop])
    d = jnp.concatenate([dst, loop])
    deg = jnp.zeros((num_nodes,), dtype=jnp.float32).at[d].add(1.0)
    dinv = jnp.where(deg > 0, deg ** -0.5, 0.0)
    norm = dinv[s] * dinv[d]
    h = x @ W
    msg = h[s] * norm[:, None]
    out = jnp.zeros((num_nodes, h.shape[1]), dtype=jnp.float32).at[d].add(msg)
    return out + b


def reference(x, edge_index, pos, W1, b1, W2, b2, Wl, bl):
    src, dst = edge_index[0], edge_index[1]
    h = jax.nn.relu(gcn_conv(x, src, dst, W1, b1, N))
    h = jax.nn.relu(gcn_conv(h, src, dst, W2, b2, N))
    # batch = all zeros -> single-graph global pools
    g_mean = jnp.mean(h, axis=0, keepdims=True)
    g_max = jnp.max(h, axis=0, keepdims=True)
    g_sum = jnp.sum(h, axis=0, keepdims=True)
    g = jnp.concatenate([g_mean, g_max, g_sum], axis=1)
    # dropout skipped (deterministic reference / eval behavior)
    return g @ Wl.T + bl

if __name__ == "__main__":
    import jax
    _d = setup_inputs()
    print(jax.jit(kernel)(*tuple(_d.values())))

</pallas_src>

<mosaic_0001>
#map = affine_map<(d0, d1) -> (0, 0)>
#map1 = affine_map<(d0, d1) -> (0)>
module attributes {stable_mosaic.version = 14 : i64} {
  func.func @scatter_kernel(%arg0: i32, %arg1: i32, %arg2: memref<10000x128xf32, #tpu.memory_space<hbm>>, %arg3: memref<323584xi32, #tpu.memory_space<hbm>>, %arg4: memref<323584xi32, #tpu.memory_space<hbm>>, %arg5: memref<128x128xf32, #tpu.memory_space<hbm>>, %arg6: memref<20480x128xf32, #tpu.memory_space<hbm>>, %arg7: memref<128xi32, #tpu.memory_space<vmem>>, %arg8: memref<128xi32, #tpu.memory_space<vmem>>, %arg9: memref<128x128xf32, #tpu.memory_space<vmem>>, %arg10: memref<10240x128xf32, #tpu.memory_space<vmem_shared>>, %arg11: memref<!tpu.dma_semaphore, #tpu.memory_space<semaphore_mem>>) attributes {dimension_semantics = [#tpu.dimension_semantics<core_parallel>, #tpu.dimension_semantics<subcore_parallel>], iteration_bounds = array<i64: 2, 16>, scalar_prefetch = 0 : i64, scratch_operands = 5 : i64, tpu.core_type = #tpu.core_type<sc_vector_subcore>, window_params = [{transform_indices = #map}, {transform_indices = #map1}, {transform_indices = #map1}, {transform_indices = #map}, {transform_indices = #map}]} {
    "tpu.region"() ({
      %run_scoped3A = tpu.sem_alloc : memref<!tpu.dma_semaphore, #tpu.memory_space<semaphore_mem>>
      tpu.enqueue_dma source(%arg5 : memref<128x128xf32, #tpu.memory_space<hbm>>) target(%arg9 : memref<128x128xf32, #tpu.memory_space<vmem>>) target_semaphore(%run_scoped3A : memref<!tpu.dma_semaphore, #tpu.memory_space<semaphore_mem>>)
      tpu.wait_dma2 semaphore(%run_scoped3A : memref<!tpu.dma_semaphore, #tpu.memory_space<semaphore_mem>>) src(%arg5 : memref<128x128xf32, #tpu.memory_space<hbm>>) dst(%arg9 : memref<128x128xf32, #tpu.memory_space<vmem>>)
      tpu.yield
    }) : () -> ()
    %mul3A = arith.constant 640 : i32
    %mul3A_0 = arith.muli %arg1, %mul3A : i32
    %add3A = arith.constant 0 : i32
    %add3A_1 = arith.addi %mul3A_0, %add3A : i32
    "tpu.region"() ({
      %run_scoped3A = tpu.sem_alloc : memref<!tpu.dma_semaphore, #tpu.memory_space<semaphore_mem>>
      %dma_start3A = arith.constant 0 : i32
      %dma_start3A_76 = tpu.memref_slice %arg10[%add3A_1, %dma_start3A] : memref<10240x128xf32, #tpu.memory_space<vmem_shared>> -> memref<128x128xf32, #tpu.memory_space<vmem_shared>>
      %dma_start3A_77 = arith.constant 0 : i32
      %dma_start3A_78 = tpu.memref_slice %arg10[%add3A_1, %dma_start3A_77] : memref<10240x128xf32, #tpu.memory_space<vmem_shared>> -> memref<128x128xf32, #tpu.memory_space<vmem_shared>>
      tpu.enqueue_dma source(%arg9 : memref<128x128xf32, #tpu.memory_space<vmem>>) target(%dma_start3A_78 : memref<128x128xf32, #tpu.memory_space<vmem_shared>>) target_semaphore(%run_scoped3A : memref<!tpu.dma_semaphore, #tpu.memory_space<semaphore_mem>>)
      %dma_wait3A = arith.constant 0 : i32
      %dma_wait3A_79 = tpu.memref_slice %arg10[%add3A_1, %dma_wait3A] : memref<10240x128xf32, #tpu.memory_space<vmem_shared>> -> memref<128x128xf32, #tpu.memory_space<vmem_shared>>
      %dma_wait3A_80 = arith.constant 0 : i32
      %dma_wait3A_81 = tpu.memref_slice %arg10[%add3A_1, %dma_wait3A_80] : memref<10240x128xf32, #tpu.memory_space<vmem_shared>> -> memref<128x128xf32, #tpu.memory_space<vmem_shared>>
      tpu.wait_dma2 semaphore(%run_scoped3A : memref<!tpu.dma_semaphore, #tpu.memory_space<semaphore_mem>>) src(%arg9 : memref<128x128xf32, #tpu.memory_space<vmem>>) dst(%dma_wait3A_81 : memref<128x128xf32, #tpu.memory_space<vmem_shared>>)
      tpu.yield
    }) : () -> ()
    %mul3A_2 = arith.constant 640 : i32
    %mul3A_3 = arith.muli %arg1, %mul3A_2 : i32
    %add3A_4 = arith.constant 128 : i32
    %add3A_5 = arith.addi %mul3A_3, %add3A_4 : i32
    "tpu.region"() ({
      %run_scoped3A = tpu.sem_alloc : memref<!tpu.dma_semaphore, #tpu.memory_space<semaphore_mem>>
      %dma_start3A = arith.constant 0 : i32
      %dma_start3A_76 = tpu.memref_slice %arg10[%add3A_5, %dma_start3A] : memref<10240x128xf32, #tpu.memory_space<vmem_shared>> -> memref<128x128xf32, #tpu.memory_space<vmem_shared>>
      %dma_start3A_77 = arith.constant 0 : i32
      %dma_start3A_78 = tpu.memref_slice %arg10[%add3A_5, %dma_start3A_77] : memref<10240x128xf32, #tpu.memory_space<vmem_shared>> -> memref<128x128xf32, #tpu.memory_space<vmem_shared>>
      tpu.enqueue_dma source(%arg9 : memref<128x128xf32, #tpu.memory_space<vmem>>) target(%dma_start3A_78 : memref<128x128xf32, #tpu.memory_space<vmem_shared>>) target_semaphore(%run_scoped3A : memref<!tpu.dma_semaphore, #tpu.memory_space<semaphore_mem>>)
      %dma_wait3A = arith.constant 0 : i32
      %dma_wait3A_79 = tpu.memref_slice %arg10[%add3A_5, %dma_wait3A] : memref<10240x128xf32, #tpu.memory_space<vmem_shared>> -> memref<128x128xf32, #tpu.memory_space<vmem_shared>>
      %dma_wait3A_80 = arith.constant 0 : i32
      %dma_wait3A_81 = tpu.memref_slice %arg10[%add3A_5, %dma_wait3A_80] : memref<10240x128xf32, #tpu.memory_space<vmem_shared>> -> memref<128x128xf32, #tpu.memory_space<vmem_shared>>
      tpu.wait_dma2 semaphore(%run_scoped3A : memref<!tpu.dma_semaphore, #tpu.memory_space<semaphore_mem>>) src(%arg9 : memref<128x128xf32, #tpu.memory_space<vmem>>) dst(%dma_wait3A_81 : memref<128x128xf32, #tpu.memory_space<vmem_shared>>)
      tpu.yield
    }) : () -> ()
    %mul3A_6 = arith.constant 640 : i32
    %mul3A_7 = arith.muli %arg1, %mul3A_6 : i32
    %add3A_8 = arith.constant 256 : i32
    %add3A_9 = arith.addi %mul3A_7, %add3A_8 : i32
    "tpu.region"() ({
      %run_scoped3A = tpu.sem_alloc : memref<!tpu.dma_semaphore, #tpu.memory_space<semaphore_mem>>
      %dma_start3A = arith.constant 0 : i32
      %dma_start3A_76 = tpu.memref_slice %arg10[%add3A_9, %dma_start3A] : memref<10240x128xf32, #tpu.memory_space<vmem_shared>> -> memref<128x128xf32, #tpu.memory_space<vmem_shared>>
      %dma_start3A_77 = arith.constant 0 : i32
      %dma_start3A_78 = tpu.memref_slice %arg10[%add3A_9, %dma_start3A_77] : memref<10240x128xf32, #tpu.memory_space<vmem_shared>> -> memref<128x128xf32, #tpu.memory_space<vmem_shared>>
      tpu.enqueue_dma source(%arg9 : memref<128x128xf32, #tpu.memory_space<vmem>>) target(%dma_start3A_78 : memref<128x128xf32, #tpu.memory_space<vmem_shared>>) target_semaphore(%run_scoped3A : memref<!tpu.dma_semaphore, #tpu.memory_space<semaphore_mem>>)
      %dma_wait3A = arith.constant 0 : i32
      %dma_wait3A_79 = tpu.memref_slice %arg10[%add3A_9, %dma_wait3A] : memref<10240x128xf32, #tpu.memory_space<vmem_shared>> -> memref<128x128xf32, #tpu.memory_space<vmem_shared>>
      %dma_wait3A_80 = arith.constant 0 : i32
      %dma_wait3A_81 = tpu.memref_slice %arg10[%add3A_9, %dma_wait3A_80] : memref<10240x128xf32, #tpu.memory_space<vmem_shared>> -> memref<128x128xf32, #tpu.memory_space<vmem_shared>>
      tpu.wait_dma2 semaphore(%run_scoped3A : memref<!tpu.dma_semaphore, #tpu.memory_space<semaphore_mem>>) src(%arg9 : memref<128x128xf32, #tpu.memory_space<vmem>>) dst(%dma_wait3A_81 : memref<128x128xf32, #tpu.memory_space<vmem_shared>>)
      tpu.yield
    }) : () -> ()
    %mul3A_10 = arith.constant 640 : i32
    %mul3A_11 = arith.muli %arg1, %mul3A_10 : i32
    %add3A_12 = arith.constant 384 : i32
    %add3A_13 = arith.addi %mul3A_11, %add3A_12 : i32
    "tpu.region"() ({
      %run_scoped3A = tpu.sem_alloc : memref<!tpu.dma_semaphore, #tpu.memory_space<semaphore_mem>>
      %dma_start3A = arith.constant 0 : i32
      %dma_start3A_76 = tpu.memref_slice %arg10[%add3A_13, %dma_start3A] : memref<10240x128xf32, #tpu.memory_space<vmem_shared>> -> memref<128x128xf32, #tpu.memory_space<vmem_shared>>
      %dma_start3A_77 = arith.constant 0 : i32
      %dma_start3A_78 = tpu.memref_slice %arg10[%add3A_13, %dma_start3A_77] : memref<10240x128xf32, #tpu.memory_space<vmem_shared>> -> memref<128x128xf32, #tpu.memory_space<vmem_shared>>
      tpu.enqueue_dma source(%arg9 : memref<128x128xf32, #tpu.memory_space<vmem>>) target(%dma_start3A_78 : memref<128x128xf32, #tpu.memory_space<vmem_shared>>) target_semaphore(%run_scoped3A : memref<!tpu.dma_semaphore, #tpu.memory_space<semaphore_mem>>)
      %dma_wait3A = arith.constant 0 : i32
      %dma_wait3A_79 = tpu.memref_slice %arg10[%add3A_13, %dma_wait3A] : memref<10240x128xf32, #tpu.memory_space<vmem_shared>> -> memref<128x128xf32, #tpu.memory_space<vmem_shared>>
      %dma_wait3A_80 = arith.constant 0 : i32
      %dma_wait3A_81 = tpu.memref_slice %arg10[%add3A_13, %dma_wait3A_80] : memref<10240x128xf32, #tpu.memory_space<vmem_shared>> -> memref<128x128xf32, #tpu.memory_space<vmem_shared>>
      tpu.wait_dma2 semaphore(%run_scoped3A : memref<!tpu.dma_semaphore, #tpu.memory_space<semaphore_mem>>) src(%arg9 : memref<128x128xf32, #tpu.memory_space<vmem>>) dst(%dma_wait3A_81 : memref<128x128xf32, #tpu.memory_space<vmem_shared>>)
      tpu.yield
    }) : () -> ()
    %mul3A_14 = arith.constant 640 : i32
    %mul3A_15 = arith.muli %arg1, %mul3A_14 : i32
    %add3A_16 = arith.constant 512 : i32
    %add3A_17 = arith.addi %mul3A_15, %add3A_16 : i32
    "tpu.region"() ({
      %run_scoped3A = tpu.sem_alloc : memref<!tpu.dma_semaphore, #tpu.memory_space<semaphore_mem>>
      %dma_start3A = arith.constant 0 : i32
      %dma_start3A_76 = tpu.memref_slice %arg10[%add3A_17, %dma_start3A] : memref<10240x128xf32, #tpu.memory_space<vmem_shared>> -> memref<128x128xf32, #tpu.memory_space<vmem_shared>>
      %dma_start3A_77 = arith.constant 0 : i32
      %dma_start3A_78 = tpu.memref_slice %arg10[%add3A_17, %dma_start3A_77] : memref<10240x128xf32, #tpu.memory_space<vmem_shared>> -> memref<128x128xf32, #tpu.memory_space<vmem_shared>>
      tpu.enqueue_dma source(%arg9 : memref<128x128xf32, #tpu.memory_space<vmem>>) target(%dma_start3A_78 : memref<128x128xf32, #tpu.memory_space<vmem_shared>>) target_semaphore(%run_scoped3A : memref<!tpu.dma_semaphore, #tpu.memory_space<semaphore_mem>>)
      %dma_wait3A = arith.constant 0 : i32
      %dma_wait3A_79 = tpu.memref_slice %arg10[%add3A_17, %dma_wait3A] : memref<10240x128xf32, #tpu.memory_space<vmem_shared>> -> memref<128x128xf32, #tpu.memory_space<vmem_shared>>
      %dma_wait3A_80 = arith.constant 0 : i32
      %dma_wait3A_81 = tpu.memref_slice %arg10[%add3A_17, %dma_wait3A_80] : memref<10240x128xf32, #tpu.memory_space<vmem_shared>> -> memref<128x128xf32, #tpu.memory_space<vmem_shared>>
      tpu.wait_dma2 semaphore(%run_scoped3A : memref<!tpu.dma_semaphore, #tpu.memory_space<semaphore_mem>>) src(%arg9 : memref<128x128xf32, #tpu.memory_space<vmem>>) dst(%dma_wait3A_81 : memref<128x128xf32, #tpu.memory_space<vmem_shared>>)
      tpu.yield
    }) : () -> ()
    %barrier3A = arith.constant 0 : index
    tpu.barrier barrier_id(%barrier3A)
    %eq3A = arith.constant 0 : i32
    %eq3A_18 = arith.cmpi eq, %arg0, %eq3A : i32
    %jit3A = arith.constant 118 : i32
    %jit3A_19 = arith.constant 40 : i32
    %select_n3A = arith.select %eq3A_18, %jit3A, %jit3A_19 : i32
    %eq3A_20 = arith.constant 0 : i32
    %eq3A_21 = arith.cmpi eq, %arg0, %eq3A_20 : i32
    %mul3A_22 = arith.constant 118 : i32
    %mul3A_23 = arith.muli %arg1, %mul3A_22 : i32
    %mul3A_24 = arith.constant 40 : i32
    %mul3A_25 = arith.muli %arg1, %mul3A_24 : i32
    %add3A_26 = arith.constant 1888 : i32
    %add3A_27 = arith.addi %add3A_26, %mul3A_25 : i32
    %select_n3A_28 = arith.select %eq3A_21, %mul3A_23, %add3A_27 : i32
    %mul3A_29 = arith.constant 128 : i32
    %mul3A_30 = arith.muli %select_n3A_28, %mul3A_29 : i32
    %while3A = arith.constant 0 : i32
    %while3A_31 = arith.constant 0 : i32
    %while3A_32 = arith.subi %select_n3A, %while3A_31 : i32
    %while3A_33 = arith.addi %while3A_31, %while3A_32 : i32
    %while3A_34 = arith.constant 1 : i32
    %while3A_35 = arith.divsi %while3A_32, %while3A_34 : i32
    %while3A_36 = arith.muli %while3A_35, %while3A_34 : i32
    %while3A_37 = arith.addi %while3A_31, %while3A_36 : i32
    %while3A_38 = arith.constant 1 : i32
    scf.for %while3A_76 = %while3A_31 to %while3A_37 step %while3A_38  : i32 {
      %mul3A_77 = arith.constant 128 : i32
      %mul3A_78 = arith.muli %while3A_76, %mul3A_77 : i32
      %add3A_79 = arith.addi %mul3A_30, %mul3A_78 : i32
      "tpu.region"() ({
        %run_scoped3A = tpu.sem_alloc : memref<!tpu.dma_semaphore, #tpu.memory_space<semaphore_mem>>
        %dma_start3A_84 = tpu.memref_slice %arg3[%add3A_79] : memref<323584xi32, #tpu.memory_space<hbm>> -> memref<128xi32, #tpu.memory_space<hbm>>
        %dma_start3A_85 = tpu.memref_slice %arg3[%add3A_79] : memref<323584xi32, #tpu.memory_space<hbm>> -> memref<128xi32, #tpu.memory_space<hbm>>
        tpu.enqueue_dma source(%dma_start3A_85 : memref<128xi32, #tpu.memory_space<hbm>>) target(%arg7 : memref<128xi32, #tpu.memory_space<vmem>>) target_semaphore(%run_scoped3A : memref<!tpu.dma_semaphore, #tpu.memory_space<semaphore_mem>>)
        %dma_wait3A_86 = tpu.memref_slice %arg3[%add3A_79] : memref<323584xi32, #tpu.memory_space<hbm>> -> memref<128xi32, #tpu.memory_space<hbm>>
        %dma_wait3A_87 = tpu.memref_slice %arg3[%add3A_79] : memref<323584xi32, #tpu.memory_space<hbm>> -> memref<128xi32, #tpu.memory_space<hbm>>
        tpu.wait_dma2 semaphore(%run_scoped3A : memref<!tpu.dma_semaphore, #tpu.memory_space<semaphore_mem>>) src(%dma_wait3A_87 : memref<128xi32, #tpu.memory_space<hbm>>) dst(%arg7 : memref<128xi32, #tpu.memory_space<vmem>>)
        tpu.yield
      }) : () -> ()
      "tpu.region"() ({
        %run_scoped3A = tpu.sem_alloc : memref<!tpu.dma_semaphore, #tpu.memory_space<semaphore_mem>>
        %dma_start3A_84 = tpu.memref_slice %arg4[%add3A_79] : memref<323584xi32, #tpu.memory_space<hbm>> -> memref<128xi32, #tpu.memory_space<hbm>>
        %dma_start3A_85 = tpu.memref_slice %arg4[%add3A_79] : memref<323584xi32, #tpu.memory_space<hbm>> -> memref<128xi32, #tpu.memory_space<hbm>>
        tpu.enqueue_dma source(%dma_start3A_85 : memref<128xi32, #tpu.memory_space<hbm>>) target(%arg8 : memref<128xi32, #tpu.memory_space<vmem>>) target_semaphore(%run_scoped3A : memref<!tpu.dma_semaphore, #tpu.memory_space<semaphore_mem>>)
        %dma_wait3A_86 = tpu.memref_slice %arg4[%add3A_79] : memref<323584xi32, #tpu.memory_space<hbm>> -> memref<128xi32, #tpu.memory_space<hbm>>
        %dma_wait3A_87 = tpu.memref_slice %arg4[%add3A_79] : memref<323584xi32, #tpu.memory_space<hbm>> -> memref<128xi32, #tpu.memory_space<hbm>>
        tpu.wait_dma2 semaphore(%run_scoped3A : memref<!tpu.dma_semaphore, #tpu.memory_space<semaphore_mem>>) src(%dma_wait3A_87 : memref<128xi32, #tpu.memory_space<hbm>>) dst(%arg8 : memref<128xi32, #tpu.memory_space<vmem>>)
        tpu.yield
      }) : () -> ()
      %dma_start3A = arith.constant 0 : i32
      %dma_start3A_80 = arith.constant 0 : i32
      %dma_start3A_81 = tpu.memref_slice %arg2[%dma_start3A, %dma_start3A_80] : memref<10000x128xf32, #tpu.memory_space<hbm>> -> memref<10000x128xf32, #tpu.memory_space<hbm>>
      tpu.enqueue_indirect_dma source(%dma_start3A_81 : memref<10000x128xf32, #tpu.memory_space<hbm>>) target(%arg9 : memref<128x128xf32, #tpu.memory_space<vmem>>) offsets(%arg7 : memref<128xi32, #tpu.memory_space<vmem>>) semaphore(%arg11 : memref<!tpu.dma_semaphore, #tpu.memory_space<semaphore_mem>>)
      %dma_wait3A = arith.constant 0 : i32
      %dma_wait3A_82 = arith.constant 0 : i32
      %dma_wait3A_83 = tpu.memref_slice %arg2[%dma_wait3A, %dma_wait3A_82] : memref<10000x128xf32, #tpu.memory_space<hbm>> -> memref<10000x128xf32, #tpu.memory_space<hbm>>
      tpu.wait_indirect_dma semaphore(%arg11 : memref<!tpu.dma_semaphore, #tpu.memory_space<semaphore_mem>>) src(%dma_wait3A_83 : memref<10000x128xf32, #tpu.memory_space<hbm>>) dst(%arg9 : memref<128x128xf32, #tpu.memory_space<vmem>>)
      "tpu.region"() ({
        %run_scoped3A = tpu.sem_alloc : memref<!tpu.dma_semaphore, #tpu.memory_space<semaphore_mem>>
        %dma_start3A_84 = arith.constant 0 : i32
        %dma_start3A_85 = arith.constant 0 : i32
        %dma_start3A_86 = tpu.memref_slice %arg10[%dma_start3A_84, %dma_start3A_85] : memref<10240x128xf32, #tpu.memory_space<vmem_shared>> -> memref<10240x128xf32, #tpu.memory_space<vmem_shared>>
        tpu.enqueue_indirect_dma source(%arg9 : memref<128x128xf32, #tpu.memory_space<vmem>>) target(%dma_start3A_86 : memref<10240x128xf32, #tpu.memory_space<vmem_shared>>) offsets(%arg8 : memref<128xi32, #tpu.memory_space<vmem>>) semaphore(%run_scoped3A : memref<!tpu.dma_semaphore, #tpu.memory_space<semaphore_mem>>) {add = true}
        %dma_wait3A_87 = arith.constant 0 : i32
        %dma_wait3A_88 = arith.constant 0 : i32
        %dma_wait3A_89 = tpu.memref_slice %arg10[%dma_wait3A_87, %dma_wait3A_88] : memref<10240x128xf32, #tpu.memory_space<vmem_shared>> -> memref<10240x128xf32, #tpu.memory_space<vmem_shared>>
        tpu.wait_indirect_dma semaphore(%run_scoped3A : memref<!tpu.dma_semaphore, #tpu.memory_space<semaphore_mem>>) src(%arg9 : memref<128x128xf32, #tpu.memory_space<vmem>>) dst(%dma_wait3A_89 : memref<10240x128xf32, #tpu.memory_space<vmem_shared>>)
        tpu.yield
      }) : () -> ()
    }
    %while3A_39 = arith.constant 1 : i32
    scf.for %while3A_76 = %while3A_37 to %while3A_33 step %while3A_39  : i32 {
      %mul3A_77 = arith.constant 128 : i32
      %mul3A_78 = arith.muli %while3A_76, %mul3A_77 : i32
      %add3A_79 = arith.addi %mul3A_30, %mul3A_78 : i32
      "tpu.region"() ({
        %run_scoped3A = tpu.sem_alloc : memref<!tpu.dma_semaphore, #tpu.memory_space<semaphore_mem>>
        %dma_start3A_84 = tpu.memref_slice %arg3[%add3A_79] : memref<323584xi32, #tpu.memory_space<hbm>> -> memref<128xi32, #tpu.memory_space<hbm>>
        %dma_start3A_85 = tpu.memref_slice %arg3[%add3A_79] : memref<323584xi32, #tpu.memory_space<hbm>> -> memref<128xi32, #tpu.memory_space<hbm>>
        tpu.enqueue_dma source(%dma_start3A_85 : memref<128xi32, #tpu.memory_space<hbm>>) target(%arg7 : memref<128xi32, #tpu.memory_space<vmem>>) target_semaphore(%run_scoped3A : memref<!tpu.dma_semaphore, #tpu.memory_space<semaphore_mem>>)
        %dma_wait3A_86 = tpu.memref_slice %arg3[%add3A_79] : memref<323584xi32, #tpu.memory_space<hbm>> -> memref<128xi32, #tpu.memory_space<hbm>>
        %dma_wait3A_87 = tpu.memref_slice %arg3[%add3A_79] : memref<323584xi32, #tpu.memory_space<hbm>> -> memref<128xi32, #tpu.memory_space<hbm>>
        tpu.wait_dma2 semaphore(%run_scoped3A : memref<!tpu.dma_semaphore, #tpu.memory_space<semaphore_mem>>) src(%dma_wait3A_87 : memref<128xi32, #tpu.memory_space<hbm>>) dst(%arg7 : memref<128xi32, #tpu.memory_space<vmem>>)
        tpu.yield
      }) : () -> ()
      "tpu.region"() ({
        %run_scoped3A = tpu.sem_alloc : memref<!tpu.dma_semaphore, #tpu.memory_space<semaphore_mem>>
        %dma_start3A_84 = tpu.memref_slice %arg4[%add3A_79] : memref<323584xi32, #tpu.memory_space<hbm>> -> memref<128xi32, #tpu.memory_space<hbm>>
        %dma_start3A_85 = tpu.memref_slice %arg4[%add3A_79] : memref<323584xi32, #tpu.memory_space<hbm>> -> memref<128xi32, #tpu.memory_space<hbm>>
        tpu.enqueue_dma source(%dma_start3A_85 : memref<128xi32, #tpu.memory_space<hbm>>) target(%arg8 : memref<128xi32, #tpu.memory_space<vmem>>) target_semaphore(%run_scoped3A : memref<!tpu.dma_semaphore, #tpu.memory_space<semaphore_mem>>)
        %dma_wait3A_86 = tpu.memref_slice %arg4[%add3A_79] : memref<323584xi32, #tpu.memory_space<hbm>> -> memref<128xi32, #tpu.memory_space<hbm>>
        %dma_wait3A_87 = tpu.memref_slice %arg4[%add3A_79] : memref<323584xi32, #tpu.memory_space<hbm>> -> memref<128xi32, #tpu.memory_space<hbm>>
        tpu.wait_dma2 semaphore(%run_scoped3A : memref<!tpu.dma_semaphore, #tpu.memory_space<semaphore_mem>>) src(%dma_wait3A_87 : memref<128xi32, #tpu.memory_space<hbm>>) dst(%arg8 : memref<128xi32, #tpu.memory_space<vmem>>)
        tpu.yield
      }) : () -> ()
      %dma_start3A = arith.constant 0 : i32
      %dma_start3A_80 = arith.constant 0 : i32
      %dma_start3A_81 = tpu.memref_slice %arg2[%dma_start3A, %dma_start3A_80] : memref<10000x128xf32, #tpu.memory_space<hbm>> -> memref<10000x128xf32, #tpu.memory_space<hbm>>
      tpu.enqueue_indirect_dma source(%dma_start3A_81 : memref<10000x128xf32, #tpu.memory_space<hbm>>) target(%arg9 : memref<128x128xf32, #tpu.memory_space<vmem>>) offsets(%arg7 : memref<128xi32, #tpu.memory_space<vmem>>) semaphore(%arg11 : memref<!tpu.dma_semaphore, #tpu.memory_space<semaphore_mem>>)
      %dma_wait3A = arith.constant 0 : i32
      %dma_wait3A_82 = arith.constant 0 : i32
      %dma_wait3A_83 = tpu.memref_slice %arg2[%dma_wait3A, %dma_wait3A_82] : memref<10000x128xf32, #tpu.memory_space<hbm>> -> memref<10000x128xf32, #tpu.memory_space<hbm>>
      tpu.wait_indirect_dma semaphore(%arg11 : memref<!tpu.dma_semaphore, #tpu.memory_space<semaphore_mem>>) src(%dma_wait3A_83 : memref<10000x128xf32, #tpu.memory_space<hbm>>) dst(%arg9 : memref<128x128xf32, #tpu.memory_space<vmem>>)
      "tpu.region"() ({
        %run_scoped3A = tpu.sem_alloc : memref<!tpu.dma_semaphore, #tpu.memory_space<semaphore_mem>>
        %dma_start3A_84 = arith.constant 0 : i32
        %dma_start3A_85 = arith.constant 0 : i32
        %dma_start3A_86 = tpu.memref_slice %arg10[%dma_start3A_84, %dma_start3A_85] : memref<10240x128xf32, #tpu.memory_space<vmem_shared>> -> memref<10240x128xf32, #tpu.memory_space<vmem_shared>>
        tpu.enqueue_indirect_dma source(%arg9 : memref<128x128xf32, #tpu.memory_space<vmem>>) target(%dma_start3A_86 : memref<10240x128xf32, #tpu.memory_space<vmem_shared>>) offsets(%arg8 : memref<128xi32, #tpu.memory_space<vmem>>) semaphore(%run_scoped3A : memref<!tpu.dma_semaphore, #tpu.memory_space<semaphore_mem>>) {add = true}
        %dma_wait3A_87 = arith.constant 0 : i32
        %dma_wait3A_88 = arith.constant 0 : i32
        %dma_wait3A_89 = tpu.memref_slice %arg10[%dma_wait3A_87, %dma_wait3A_88] : memref<10240x128xf32, #tpu.memory_space<vmem_shared>> -> memref<10240x128xf32, #tpu.memory_space<vmem_shared>>
        tpu.wait_indirect_dma semaphore(%run_scoped3A : memref<!tpu.dma_semaphore, #tpu.memory_space<semaphore_mem>>) src(%arg9 : memref<128x128xf32, #tpu.memory_space<vmem>>) dst(%dma_wait3A_89 : memref<10240x128xf32, #tpu.memory_space<vmem_shared>>)
        tpu.yield
      }) : () -> ()
    }
    %barrier3A_40 = arith.constant 0 : index
    tpu.barrier barrier_id(%barrier3A_40)
    %mul3A_41 = arith.constant 640 : i32
    %mul3A_42 = arith.muli %arg1, %mul3A_41 : i32
    %add3A_43 = arith.constant 0 : i32
    %add3A_44 = arith.addi %mul3A_42, %add3A_43 : i32
    %mul3A_45 = arith.constant 10240 : i32
    %mul3A_46 = arith.muli %arg0, %mul3A_45 : i32
    %add3A_47 = arith.addi %mul3A_46, %add3A_44 : i32
    "tpu.region"() ({
      %run_scoped3A = tpu.sem_alloc : memref<!tpu.dma_semaphore, #tpu.memory_space<semaphore_mem>>
      %dma_start3A = arith.constant 0 : i32
      %dma_start3A_76 = tpu.memref_slice %arg6[%add3A_47, %dma_start3A] : memref<20480x128xf32, #tpu.memory_space<hbm>> -> memref<128x128xf32, #tpu.memory_space<hbm>>
      %dma_start3A_77 = arith.constant 0 : i32
      %dma_start3A_78 = tpu.memref_slice %arg10[%add3A_44, %dma_start3A_77] : memref<10240x128xf32, #tpu.memory_space<vmem_shared>> -> memref<128x128xf32, #tpu.memory_space<vmem_shared>>
      tpu.enqueue_dma source(%dma_start3A_78 : memref<128x128xf32, #tpu.memory_space<vmem_shared>>) target(%dma_start3A_76 : memref<128x128xf32, #tpu.memory_space<hbm>>) target_semaphore(%run_scoped3A : memref<!tpu.dma_semaphore, #tpu.memory_space<semaphore_mem>>)
      %dma_wait3A = arith.constant 0 : i32
      %dma_wait3A_79 = tpu.memref_slice %arg6[%add3A_47, %dma_wait3A] : memref<20480x128xf32, #tpu.memory_space<hbm>> -> memref<128x128xf32, #tpu.memory_space<hbm>>
      %dma_wait3A_80 = arith.constant 0 : i32
      %dma_wait3A_81 = tpu.memref_slice %arg10[%add3A_44, %dma_wait3A_80] : memref<10240x128xf32, #tpu.memory_space<vmem_shared>> -> memref<128x128xf32, #tpu.memory_space<vmem_shared>>
      tpu.wait_dma2 semaphore(%run_scoped3A : memref<!tpu.dma_semaphore, #tpu.memory_space<semaphore_mem>>) src(%dma_wait3A_81 : memref<128x128xf32, #tpu.memory_space<vmem_shared>>) dst(%dma_wait3A_79 : memref<128x128xf32, #tpu.memory_space<hbm>>)
      tpu.yield
    }) : () -> ()
    %mul3A_48 = arith.constant 640 : i32
    %mul3A_49 = arith.muli %arg1, %mul3A_48 : i32
    %add3A_50 = arith.constant 128 : i32
    %add3A_51 = arith.addi %mul3A_49, %add3A_50 : i32
    %mul3A_52 = arith.constant 10240 : i32
    %mul3A_53 = arith.muli %arg0, %mul3A_52 : i32
    %add3A_54 = arith.addi %mul3A_53, %add3A_51 : i32
    "tpu.region"() ({
      %run_scoped3A = tpu.sem_alloc : memref<!tpu.dma_semaphore, #tpu.memory_space<semaphore_mem>>
      %dma_start3A = arith.constant 0 : i32
      %dma_start3A_76 = tpu.memref_slice %arg6[%add3A_54, %dma_start3A] : memref<20480x128xf32, #tpu.memory_space<hbm>> -> memref<128x128xf32, #tpu.memory_space<hbm>>
      %dma_start3A_77 = arith.constant 0 : i32
      %dma_start3A_78 = tpu.memref_slice %arg10[%add3A_51, %dma_start3A_77] : memref<10240x128xf32, #tpu.memory_space<vmem_shared>> -> memref<128x128xf32, #tpu.memory_space<vmem_shared>>
      tpu.enqueue_dma source(%dma_start3A_78 : memref<128x128xf32, #tpu.memory_space<vmem_shared>>) target(%dma_start3A_76 : memref<128x128xf32, #tpu.memory_space<hbm>>) target_semaphore(%run_scoped3A : memref<!tpu.dma_semaphore, #tpu.memory_space<semaphore_mem>>)
      %dma_wait3A = arith.constant 0 : i32
      %dma_wait3A_79 = tpu.memref_slice %arg6[%add3A_54, %dma_wait3A] : memref<20480x128xf32, #tpu.memory_space<hbm>> -> memref<128x128xf32, #tpu.memory_space<hbm>>
      %dma_wait3A_80 = arith.constant 0 : i32
      %dma_wait3A_81 = tpu.memref_slice %arg10[%add3A_51, %dma_wait3A_80] : memref<10240x128xf32, #tpu.memory_space<vmem_shared>> -> memref<128x128xf32, #tpu.memory_space<vmem_shared>>
      tpu.wait_dma2 semaphore(%run_scoped3A : memref<!tpu.dma_semaphore, #tpu.memory_space<semaphore_mem>>) src(%dma_wait3A_81 : memref<128x128xf32, #tpu.memory_space<vmem_shared>>) dst(%dma_wait3A_79 : memref<128x128xf32, #tpu.memory_space<hbm>>)
      tpu.yield
    }) : () -> ()
    %mul3A_55 = arith.constant 640 : i32
    %mul3A_56 = arith.muli %arg1, %mul3A_55 : i32
    %add3A_57 = arith.constant 256 : i32
    %add3A_58 = arith.addi %mul3A_56, %add3A_57 : i32
    %mul3A_59 = arith.constant 10240 : i32
    %mul3A_60 = arith.muli %arg0, %mul3A_59 : i32
    %add3A_61 = arith.addi %mul3A_60, %add3A_58 : i32
    "tpu.region"() ({
      %run_scoped3A = tpu.sem_alloc : memref<!tpu.dma_semaphore, #tpu.memory_space<semaphore_mem>>
      %dma_start3A = arith.constant 0 : i32
      %dma_start3A_76 = tpu.memref_slice %arg6[%add3A_61, %dma_start3A] : memref<20480x128xf32, #tpu.memory_space<hbm>> -> memref<128x128xf32, #tpu.memory_space<hbm>>
      %dma_start3A_77 = arith.constant 0 : i32
      %dma_start3A_78 = tpu.memref_slice %arg10[%add3A_58, %dma_start3A_77] : memref<10240x128xf32, #tpu.memory_space<vmem_shared>> -> memref<128x128xf32, #tpu.memory_space<vmem_shared>>
      tpu.enqueue_dma source(%dma_start3A_78 : memref<128x128xf32, #tpu.memory_space<vmem_shared>>) target(%dma_start3A_76 : memref<128x128xf32, #tpu.memory_space<hbm>>) target_semaphore(%run_scoped3A : memref<!tpu.dma_semaphore, #tpu.memory_space<semaphore_mem>>)
      %dma_wait3A = arith.constant 0 : i32
      %dma_wait3A_79 = tpu.memref_slice %arg6[%add3A_61, %dma_wait3A] : memref<20480x128xf32, #tpu.memory_space<hbm>> -> memref<128x128xf32, #tpu.memory_space<hbm>>
      %dma_wait3A_80 = arith.constant 0 : i32
      %dma_wait3A_81 = tpu.memref_slice %arg10[%add3A_58, %dma_wait3A_80] : memref<10240x128xf32, #tpu.memory_space<vmem_shared>> -> memref<128x128xf32, #tpu.memory_space<vmem_shared>>
      tpu.wait_dma2 semaphore(%run_scoped3A : memref<!tpu.dma_semaphore, #tpu.memory_space<semaphore_mem>>) src(%dma_wait3A_81 : memref<128x128xf32, #tpu.memory_space<vmem_shared>>) dst(%dma_wait3A_79 : memref<128x128xf32, #tpu.memory_space<hbm>>)
      tpu.yield
    }) : () -> ()
    %mul3A_62 = arith.constant 640 : i32
    %mul3A_63 = arith.muli %arg1, %mul3A_62 : i32
    %add3A_64 = arith.constant 384 : i32
    %add3A_65 = arith.addi %mul3A_63, %add3A_64 : i32
    %mul3A_66 = arith.constant 10240 : i32
    %mul3A_67 = arith.muli %arg0, %mul3A_66 : i32
    %add3A_68 = arith.addi %mul3A_67, %add3A_65 : i32
    "tpu.region"() ({
      %run_scoped3A = tpu.sem_alloc : memref<!tpu.dma_semaphore, #tpu.memory_space<semaphore_mem>>
      %dma_start3A = arith.constant 0 : i32
      %dma_start3A_76 = tpu.memref_slice %arg6[%add3A_68, %dma_start3A] : memref<20480x128xf32, #tpu.memory_space<hbm>> -> memref<128x128xf32, #tpu.memory_space<hbm>>
      %dma_start3A_77 = arith.constant 0 : i32
      %dma_start3A_78 = tpu.memref_slice %arg10[%add3A_65, %dma_start3A_77] : memref<10240x128xf32, #tpu.memory_space<vmem_shared>> -> memref<128x128xf32, #tpu.memory_space<vmem_shared>>
      tpu.enqueue_dma source(%dma_start3A_78 : memref<128x128xf32, #tpu.memory_space<vmem_shared>>) target(%dma_start3A_76 : memref<128x128xf32, #tpu.memory_space<hbm>>) target_semaphore(%run_scoped3A : memref<!tpu.dma_semaphore, #tpu.memory_space<semaphore_mem>>)
      %dma_wait3A = arith.constant 0 : i32
      %dma_wait3A_79 = tpu.memref_slice %arg6[%add3A_68, %dma_wait3A] : memref<20480x128xf32, #tpu.memory_space<hbm>> -> memref<128x128xf32, #tpu.memory_space<hbm>>
      %dma_wait3A_80 = arith.constant 0 : i32
      %dma_wait3A_81 = tpu.memref_slice %arg10[%add3A_65, %dma_wait3A_80] : memref<10240x128xf32, #tpu.memory_space<vmem_shared>> -> memref<128x128xf32, #tpu.memory_space<vmem_shared>>
      tpu.wait_dma2 semaphore(%run_scoped3A : memref<!tpu.dma_semaphore, #tpu.memory_space<semaphore_mem>>) src(%dma_wait3A_81 : memref<128x128xf32, #tpu.memory_space<vmem_shared>>) dst(%dma_wait3A_79 : memref<128x128xf32, #tpu.memory_space<hbm>>)
      tpu.yield
    }) : () -> ()
    %mul3A_69 = arith.constant 640 : i32
    %mul3A_70 = arith.muli %arg1, %mul3A_69 : i32
    %add3A_71 = arith.constant 512 : i32
    %add3A_72 = arith.addi %mul3A_70, %add3A_71 : i32
    %mul3A_73 = arith.constant 10240 : i32
    %mul3A_74 = arith.muli %arg0, %mul3A_73 : i32
    %add3A_75 = arith.addi %mul3A_74, %add3A_72 : i32
    "tpu.region"() ({
      %run_scoped3A = tpu.sem_alloc : memref<!tpu.dma_semaphore, #tpu.memory_space<semaphore_mem>>
      %dma_start3A = arith.constant 0 : i32
      %dma_start3A_76 = tpu.memref_slice %arg6[%add3A_75, %dma_start3A] : memref<20480x128xf32, #tpu.memory_space<hbm>> -> memref<128x128xf32, #tpu.memory_space<hbm>>
      %dma_start3A_77 = arith.constant 0 : i32
      %dma_start3A_78 = tpu.memref_slice %arg10[%add3A_72, %dma_start3A_77] : memref<10240x128xf32, #tpu.memory_space<vmem_shared>> -> memref<128x128xf32, #tpu.memory_space<vmem_shared>>
      tpu.enqueue_dma source(%dma_start3A_78 : memref<128x128xf32, #tpu.memory_space<vmem_shared>>) target(%dma_start3A_76 : memref<128x128xf32, #tpu.memory_space<hbm>>) target_semaphore(%run_scoped3A : memref<!tpu.dma_semaphore, #tpu.memory_space<semaphore_mem>>)
      %dma_wait3A = arith.constant 0 : i32
      %dma_wait3A_79 = tpu.memref_slice %arg6[%add3A_75, %dma_wait3A] : memref<20480x128xf32, #tpu.memory_space<hbm>> -> memref<128x128xf32, #tpu.memory_space<hbm>>
      %dma_wait3A_80 = arith.constant 0 : i32
      %dma_wait3A_81 = tpu.memref_slice %arg10[%add3A_72, %dma_wait3A_80] : memref<10240x128xf32, #tpu.memory_space<vmem_shared>> -> memref<128x128xf32, #tpu.memory_space<vmem_shared>>
      tpu.wait_dma2 semaphore(%run_scoped3A : memref<!tpu.dma_semaphore, #tpu.memory_space<semaphore_mem>>) src(%dma_wait3A_81 : memref<128x128xf32, #tpu.memory_space<vmem_shared>>) dst(%dma_wait3A_79 : memref<128x128xf32, #tpu.memory_space<hbm>>)
      tpu.yield
    }) : () -> ()
    return
  }
}

#map = affine_map<(d0, d1) -> (0)>
module attributes {stable_mosaic.version = 14 : i64} {
  func.func @deg_kernel(%arg0: i32, %arg1: i32, %arg2: memref<323584xi32, #tpu.memory_space<hbm>>, %arg3: memref<10240xf32, #tpu.memory_space<hbm>>, %arg4: memref<327680xf32, #tpu.memory_space<hbm>>, %arg5: memref<10240xf32, #tpu.memory_space<vmem>>, %arg6: memref<128xi32, #tpu.memory_space<vmem>>) attributes {dimension_semantics = [#tpu.dimension_semantics<core_parallel>, #tpu.dimension_semantics<subcore_parallel>], iteration_bounds = array<i64: 2, 16>, scalar_prefetch = 0 : i64, scratch_operands = 2 : i64, tpu.core_type = #tpu.core_type<sc_vector_subcore>, window_params = [{transform_indices = #map}, {transform_indices = #map}, {transform_indices = #map}]} {
    %mul3A = arith.constant 2 : i32
    %mul3A_0 = arith.muli %arg1, %mul3A : i32
    %add3A = arith.addi %mul3A_0, %arg0 : i32
    "tpu.region"() ({
      %run_scoped3A = tpu.sem_alloc : memref<!tpu.dma_semaphore, #tpu.memory_space<semaphore_mem>>
      tpu.enqueue_dma source(%arg3 : memref<10240xf32, #tpu.memory_space<hbm>>) target(%arg5 : memref<10240xf32, #tpu.memory_space<vmem>>) target_semaphore(%run_scoped3A : memref<!tpu.dma_semaphore, #tpu.memory_space<semaphore_mem>>)
      tpu.wait_dma2 semaphore(%run_scoped3A : memref<!tpu.dma_semaphore, #tpu.memory_space<semaphore_mem>>) src(%arg3 : memref<10240xf32, #tpu.memory_space<hbm>>) dst(%arg5 : memref<10240xf32, #tpu.memory_space<vmem>>)
      tpu.yield
    }) : () -> ()
    %mul3A_1 = arith.constant 10112 : i32
    %mul3A_2 = arith.muli %add3A, %mul3A_1 : i32
    %broadcast_in_dim3A = arith.constant 1.000000e+00 : f32
    %broadcast_in_dim3A_3 = vector.broadcast %broadcast_in_dim3A : f32 to vector<16xf32>
    %scan3A = arith.constant 0 : i32
    %scan3A_4 = arith.constant 0 : i32
    %scan3A_5 = arith.constant 79 : i32
    %scan3A_6 = arith.addi %scan3A_4, %scan3A_5 : i32
    %scan3A_7 = arith.constant 1 : i32
    scf.for %scan3A_11 = %scan3A_4 to %scan3A_6 step %scan3A_7  : i32 {
      %mul3A_12 = arith.constant 128 : i32
      %mul3A_13 = arith.muli %scan3A_11, %mul3A_12 : i32
      %add3A_14 = arith.addi %mul3A_2, %mul3A_13 : i32
      "tpu.region"() ({
        %run_scoped3A = tpu.sem_alloc : memref<!tpu.dma_semaphore, #tpu.memory_space<semaphore_mem>>
        %dma_start3A = tpu.memref_slice %arg2[%add3A_14] : memref<323584xi32, #tpu.memory_space<hbm>> -> memref<128xi32, #tpu.memory_space<hbm>>
        %dma_start3A_30 = tpu.memref_slice %arg2[%add3A_14] : memref<323584xi32, #tpu.memory_space<hbm>> -> memref<128xi32, #tpu.memory_space<hbm>>
        tpu.enqueue_dma source(%dma_start3A_30 : memref<128xi32, #tpu.memory_space<hbm>>) target(%arg6 : memref<128xi32, #tpu.memory_space<vmem>>) target_semaphore(%run_scoped3A : memref<!tpu.dma_semaphore, #tpu.memory_space<semaphore_mem>>)
        %dma_wait3A = tpu.memref_slice %arg2[%add3A_14] : memref<323584xi32, #tpu.memory_space<hbm>> -> memref<128xi32, #tpu.memory_space<hbm>>
        %dma_wait3A_31 = tpu.memref_slice %arg2[%add3A_14] : memref<323584xi32, #tpu.memory_space<hbm>> -> memref<128xi32, #tpu.memory_space<hbm>>
        tpu.wait_dma2 semaphore(%run_scoped3A : memref<!tpu.dma_semaphore, #tpu.memory_space<semaphore_mem>>) src(%dma_wait3A_31 : memref<128xi32, #tpu.memory_space<hbm>>) dst(%arg6 : memref<128xi32, #tpu.memory_space<vmem>>)
        tpu.yield
      }) : () -> ()
      %get3A = arith.constant 0 : index
      %get3A_15 = tpu.vector_load %arg6[%get3A] {strides = array<i32>} : memref<128xi32, #tpu.memory_space<vmem>>, vector<16xi32>,
      tpu.vector_store_idx %arg5[%get3A_15], %broadcast_in_dim3A_3 {add = true} : memref<10240xf32, #tpu.memory_space<vmem>>[vector<16xi32>], vector<16xf32>,
      %get3A_16 = arith.constant 16 : index
      %get3A_17 = tpu.vector_load %arg6[%get3A_16] {strides = array<i32>} : memref<128xi32, #tpu.memory_space<vmem>>, vector<16xi32>,
      tpu.vector_store_idx %arg5[%get3A_17], %broadcast_in_dim3A_3 {add = true} : memref<10240xf32, #tpu.memory_space<vmem>>[vector<16xi32>], vector<16xf32>,
      %get3A_18 = arith.constant 32 : index
      %get3A_19 = tpu.vector_load %arg6[%get3A_18] {strides = array<i32>} : memref<128xi32, #tpu.memory_space<vmem>>, vector<16xi32>,
      tpu.vector_store_idx %arg5[%get3A_19], %broadcast_in_dim3A_3 {add = true} : memref<10240xf32, #tpu.memory_space<vmem>>[vector<16xi32>], vector<16xf32>,
      %get3A_20 = arith.constant 48 : index
      %get3A_21 = tpu.vector_load %arg6[%get3A_20] {strides = array<i32>} : memref<128xi32, #tpu.memory_space<vmem>>, vector<16xi32>,
      tpu.vector_store_idx %arg5[%get3A_21], %broadcast_in_dim3A_3 {add = true} : memref<10240xf32, #tpu.memory_space<vmem>>[vector<16xi32>], vector<16xf32>,
      %get3A_22 = arith.constant 64 : index
      %get3A_23 = tpu.vector_load %arg6[%get3A_22] {strides = array<i32>} : memref<128xi32, #tpu.memory_space<vmem>>, vector<16xi32>,
      tpu.vector_store_idx %arg5[%get3A_23], %broadcast_in_dim3A_3 {add = true} : memref<10240xf32, #tpu.memory_space<vmem>>[vector<16xi32>], vector<16xf32>,
      %get3A_24 = arith.constant 80 : index
      %get3A_25 = tpu.vector_load %arg6[%get3A_24] {strides = array<i32>} : memref<128xi32, #tpu.memory_space<vmem>>, vector<16xi32>,
      tpu.vector_store_idx %arg5[%get3A_25], %broadcast_in_dim3A_3 {add = true} : memref<10240xf32, #tpu.memory_space<vmem>>[vector<16xi32>], vector<16xf32>,
      %get3A_26 = arith.constant 96 : index
      %get3A_27 = tpu.vector_load %arg6[%get3A_26] {strides = array<i32>} : memref<128xi32, #tpu.memory_space<vmem>>, vector<16xi32>,
      tpu.vector_store_idx %arg5[%get3A_27], %broadcast_in_dim3A_3 {add = true} : memref<10240xf32, #tpu.memory_space<vmem>>[vector<16xi32>], vector<16xf32>,
      %get3A_28 = arith.constant 112 : index
      %get3A_29 = tpu.vector_load %arg6[%get3A_28] {strides = array<i32>} : memref<128xi32, #tpu.memory_space<vmem>>, vector<16xi32>,
      tpu.vector_store_idx %arg5[%get3A_29], %broadcast_in_dim3A_3 {add = true} : memref<10240xf32, #tpu.memory_space<vmem>>[vector<16xi32>], vector<16xf32>,
    }
    %scan3A_8 = arith.constant 79 : i32
    %mul3A_9 = arith.constant 10240 : i32
    %mul3A_10 = arith.muli %add3A, %mul3A_9 : i32
    "tpu.region"() ({
      %run_scoped3A = tpu.sem_alloc : memref<!tpu.dma_semaphore, #tpu.memory_space<semaphore_mem>>
      %dma_start3A = tpu.memref_slice %arg4[%mul3A_10] : memref<327680xf32, #tpu.memory_space<hbm>> -> memref<10240xf32, #tpu.memory_space<hbm>>
      %dma_start3A_11 = tpu.memref_slice %arg4[%mul3A_10] : memref<327680xf32, #tpu.memory_space<hbm>> -> memref<10240xf32, #tpu.memory_space<hbm>>
      tpu.enqueue_dma source(%arg5 : memref<10240xf32, #tpu.memory_space<vmem>>) target(%dma_start3A_11 : memref<10240xf32, #tpu.memory_space<hbm>>) target_semaphore(%run_scoped3A : memref<!tpu.dma_semaphore, #tpu.memory_space<semaphore_mem>>)
      %dma_wait3A = tpu.memref_slice %arg4[%mul3A_10] : memref<327680xf32, #tpu.memory_space<hbm>> -> memref<10240xf32, #tpu.memory_space<hbm>>
      %dma_wait3A_12 = tpu.memref_slice %arg4[%mul3A_10] : memref<327680xf32, #tpu.memory_space<hbm>> -> memref<10240xf32, #tpu.memory_space<hbm>>
      tpu.wait_dma2 semaphore(%run_scoped3A : memref<!tpu.dma_semaphore, #tpu.memory_space<semaphore_mem>>) src(%arg5 : memref<10240xf32, #tpu.memory_space<vmem>>) dst(%dma_wait3A_12 : memref<10240xf32, #tpu.memory_space<hbm>>)
      tpu.yield
    }) : () -> ()
    return
  }
}

#map = affine_map<(d0, d1) -> (0, 0)>
#map1 = affine_map<(d0, d1) -> (0)>
module attributes {stable_mosaic.version = 14 : i64} {
  func.func @scatter_kernel(%arg0: i32, %arg1: i32, %arg2: memref<10000x128xf32, #tpu.memory_space<hbm>>, %arg3: memref<323584xi32, #tpu.memory_space<hbm>>, %arg4: memref<323584xi32, #tpu.memory_space<hbm>>, %arg5: memref<128x128xf32, #tpu.memory_space<hbm>>, %arg6: memref<20480x128xf32, #tpu.memory_space<hbm>>, %arg7: memref<128xi32, #tpu.memory_space<vmem>>, %arg8: memref<128xi32, #tpu.memory_space<vmem>>, %arg9: memref<128x128xf32, #tpu.memory_space<vmem>>, %arg10: memref<10240x128xf32, #tpu.memory_space<vmem_shared>>, %arg11: memref<!tpu.dma_semaphore, #tpu.memory_space<semaphore_mem>>) attributes {dimension_semantics = [#tpu.dimension_semantics<core_parallel>, #tpu.dimension_semantics<subcore_parallel>], iteration_bounds = array<i64: 2, 16>, scalar_prefetch = 0 : i64, scratch_operands = 5 : i64, tpu.core_type = #tpu.core_type<sc_vector_subcore>, window_params = [{transform_indices = #map}, {transform_indices = #map1}, {transform_indices = #map1}, {transform_indices = #map}, {transform_indices = #map}]} {
    "tpu.region"() ({
      %run_scoped3A = tpu.sem_alloc : memref<!tpu.dma_semaphore, #tpu.memory_space<semaphore_mem>>
      tpu.enqueue_dma source(%arg5 : memref<128x128xf32, #tpu.memory_space<hbm>>) target(%arg9 : memref<128x128xf32, #tpu.memory_space<vmem>>) target_semaphore(%run_scoped3A : memref<!tpu.dma_semaphore, #tpu.memory_space<semaphore_mem>>)
      tpu.wait_dma2 semaphore(%run_scoped3A : memref<!tpu.dma_semaphore, #tpu.memory_space<semaphore_mem>>) src(%arg5 : memref<128x128xf32, #tpu.memory_space<hbm>>) dst(%arg9 : memref<128x128xf32, #tpu.memory_space<vmem>>)
      tpu.yield
    }) : () -> ()
    %mul3A = arith.constant 640 : i32
    %mul3A_0 = arith.muli %arg1, %mul3A : i32
    %add3A = arith.constant 0 : i32
    %add3A_1 = arith.addi %mul3A_0, %add3A : i32
    "tpu.region"() ({
      %run_scoped3A = tpu.sem_alloc : memref<!tpu.dma_semaphore, #tpu.memory_space<semaphore_mem>>
      %dma_start3A = arith.constant 0 : i32
      %dma_start3A_76 = tpu.memref_slice %arg10[%add3A_1, %dma_start3A] : memref<10240x128xf32, #tpu.memory_space<vmem_shared>> -> memref<128x128xf32, #tpu.memory_space<vmem_shared>>
      %dma_start3A_77 = arith.constant 0 : i32
      %dma_start3A_78 = tpu.memref_slice %arg10[%add3A_1, %dma_start3A_77] : memref<10240x128xf32, #tpu.memory_space<vmem_shared>> -> memref<128x128xf32, #tpu.memory_space<vmem_shared>>
      tpu.enqueue_dma source(%arg9 : memref<128x128xf32, #tpu.memory_space<vmem>>) target(%dma_start3A_78 : memref<128x128xf32, #tpu.memory_space<vmem_shared>>) target_semaphore(%run_scoped3A : memref<!tpu.dma_semaphore, #tpu.memory_space<semaphore_mem>>)
      %dma_wait3A = arith.constant 0 : i32
      %dma_wait3A_79 = tpu.memref_slice %arg10[%add3A_1, %dma_wait3A] : memref<10240x128xf32, #tpu.memory_space<vmem_shared>> -> memref<128x128xf32, #tpu.memory_space<vmem_shared>>
      %dma_wait3A_80 = arith.constant 0 : i32
      %dma_wait3A_81 = tpu.memref_slice %arg10[%add3A_1, %dma_wait3A_80] : memref<10240x128xf32, #tpu.memory_space<vmem_shared>> -> memref<128x128xf32, #tpu.memory_space<vmem_shared>>
      tpu.wait_dma2 semaphore(%run_scoped3A : memref<!tpu.dma_semaphore, #tpu.memory_space<semaphore_mem>>) src(%arg9 : memref<128x128xf32, #tpu.memory_space<vmem>>) dst(%dma_wait3A_81 : memref<128x128xf32, #tpu.memory_space<vmem_shared>>)
      tpu.yield
    }) : () -> ()
    %mul3A_2 = arith.constant 640 : i32
    %mul3A_3 = arith.muli %arg1, %mul3A_2 : i32
    %add3A_4 = arith.constant 128 : i32
    %add3A_5 = arith.addi %mul3A_3, %add3A_4 : i32
    "tpu.region"() ({
      %run_scoped3A = tpu.sem_alloc : memref<!tpu.dma_semaphore, #tpu.memory_space<semaphore_mem>>
      %dma_start3A = arith.constant 0 : i32
      %dma_start3A_76 = tpu.memref_slice %arg10[%add3A_5, %dma_start3A] : memref<10240x128xf32, #tpu.memory_space<vmem_shared>> -> memref<128x128xf32, #tpu.memory_space<vmem_shared>>
      %dma_start3A_77 = arith.constant 0 : i32
      %dma_start3A_78 = tpu.memref_slice %arg10[%add3A_5, %dma_start3A_77] : memref<10240x128xf32, #tpu.memory_space<vmem_shared>> -> memref<128x128xf32, #tpu.memory_space<vmem_shared>>
      tpu.enqueue_dma source(%arg9 : memref<128x128xf32, #tpu.memory_space<vmem>>) target(%dma_start3A_78 : memref<128x128xf32, #tpu.memory_space<vmem_shared>>) target_semaphore(%run_scoped3A : memref<!tpu.dma_semaphore, #tpu.memory_space<semaphore_mem>>)
      %dma_wait3A = arith.constant 0 : i32
      %dma_wait3A_79 = tpu.memref_slice %arg10[%add3A_5, %dma_wait3A] : memref<10240x128xf32, #tpu.memory_space<vmem_shared>> -> memref<128x128xf32, #tpu.memory_space<vmem_shared>>
      %dma_wait3A_80 = arith.constant 0 : i32
      %dma_wait3A_81 = tpu.memref_slice %arg10[%add3A_5, %dma_wait3A_80] : memref<10240x128xf32, #tpu.memory_space<vmem_shared>> -> memref<128x128xf32, #tpu.memory_space<vmem_shared>>
      tpu.wait_dma2 semaphore(%run_scoped3A : memref<!tpu.dma_semaphore, #tpu.memory_space<semaphore_mem>>) src(%arg9 : memref<128x128xf32, #tpu.memory_space<vmem>>) dst(%dma_wait3A_81 : memref<128x128xf32, #tpu.memory_space<vmem_shared>>)
      tpu.yield
    }) : () -> ()
    %mul3A_6 = arith.constant 640 : i32
    %mul3A_7 = arith.muli %arg1, %mul3A_6 : i32
    %add3A_8 = arith.constant 256 : i32
    %add3A_9 = arith.addi %mul3A_7, %add3A_8 : i32
    "tpu.region"() ({
      %run_scoped3A = tpu.sem_alloc : memref<!tpu.dma_semaphore, #tpu.memory_space<semaphore_mem>>
      %dma_start3A = arith.constant 0 : i32
      %dma_start3A_76 = tpu.memref_slice %arg10[%add3A_9, %dma_start3A] : memref<10240x128xf32, #tpu.memory_space<vmem_shared>> -> memref<128x128xf32, #tpu.memory_space<vmem_shared>>
      %dma_start3A_77 = arith.constant 0 : i32
      %dma_start3A_78 = tpu.memref_slice %arg10[%add3A_9, %dma_start3A_77] : memref<10240x128xf32, #tpu.memory_space<vmem_shared>> -> memref<128x128xf32, #tpu.memory_space<vmem_shared>>
      tpu.enqueue_dma source(%arg9 : memref<128x128xf32, #tpu.memory_space<vmem>>) target(%dma_start3A_78 : memref<128x128xf32, #tpu.memory_space<vmem_shared>>) target_semaphore(%run_scoped3A : memref<!tpu.dma_semaphore, #tpu.memory_space<semaphore_mem>>)
      %dma_wait3A = arith.constant 0 : i32
      %dma_wait3A_79 = tpu.memref_slice %arg10[%add3A_9, %dma_wait3A] : memref<10240x128xf32, #tpu.memory_space<vmem_shared>> -> memref<128x128xf32, #tpu.memory_space<vmem_shared>>
      %dma_wait3A_80 = arith.constant 0 : i32
      %dma_wait3A_81 = tpu.memref_slice %arg10[%add3A_9, %dma_wait3A_80] : memref<10240x128xf32, #tpu.memory_space<vmem_shared>> -> memref<128x128xf32, #tpu.memory_space<vmem_shared>>
      tpu.wait_dma2 semaphore(%run_scoped3A : memref<!tpu.dma_semaphore, #tpu.memory_space<semaphore_mem>>) src(%arg9 : memref<128x128xf32, #tpu.memory_space<vmem>>) dst(%dma_wait3A_81 : memref<128x128xf32, #tpu.memory_space<vmem_shared>>)
      tpu.yield
    }) : () -> ()
    %mul3A_10 = arith.constant 640 : i32
    %mul3A_11 = arith.muli %arg1, %mul3A_10 : i32
    %add3A_12 = arith.constant 384 : i32
    %add3A_13 = arith.addi %mul3A_11, %add3A_12 : i32
    "tpu.region"() ({
      %run_scoped3A = tpu.sem_alloc : memref<!tpu.dma_semaphore, #tpu.memory_space<semaphore_mem>>
      %dma_start3A = arith.constant 0 : i32
      %dma_start3A_76 = tpu.memref_slice %arg10[%add3A_13, %dma_start3A] : memref<10240x128xf32, #tpu.memory_space<vmem_shared>> -> memref<128x128xf32, #tpu.memory_space<vmem_shared>>
      %dma_start3A_77 = arith.constant 0 : i32
      %dma_start3A_78 = tpu.memref_slice %arg10[%add3A_13, %dma_start3A_77] : memref<10240x128xf32, #tpu.memory_space<vmem_shared>> -> memref<128x128xf32, #tpu.memory_space<vmem_shared>>
      tpu.enqueue_dma source(%arg9 : memref<128x128xf32, #tpu.memory_space<vmem>>) target(%dma_start3A_78 : memref<128x128xf32, #tpu.memory_space<vmem_shared>>) target_semaphore(%run_scoped3A : memref<!tpu.dma_semaphore, #tpu.memory_space<semaphore_mem>>)
      %dma_wait3A = arith.constant 0 : i32
      %dma_wait3A_79 = tpu.memref_slice %arg10[%add3A_13, %dma_wait3A] : memref<10240x128xf32, #tpu.memory_space<vmem_shared>> -> memref<128x128xf32, #tpu.memory_space<vmem_shared>>
      %dma_wait3A_80 = arith.constant 0 : i32
      %dma_wait3A_81 = tpu.memref_slice %arg10[%add3A_13, %dma_wait3A_80] : memref<10240x128xf32, #tpu.memory_space<vmem_shared>> -> memref<128x128xf32, #tpu.memory_space<vmem_shared>>
      tpu.wait_dma2 semaphore(%run_scoped3A : memref<!tpu.dma_semaphore, #tpu.memory_space<semaphore_mem>>) src(%arg9 : memref<128x128xf32, #tpu.memory_space<vmem>>) dst(%dma_wait3A_81 : memref<128x128xf32, #tpu.memory_space<vmem_shared>>)
      tpu.yield
    }) : () -> ()
    %mul3A_14 = arith.constant 640 : i32
    %mul3A_15 = arith.muli %arg1, %mul3A_14 : i32
    %add3A_16 = arith.constant 512 : i32
    %add3A_17 = arith.addi %mul3A_15, %add3A_16 : i32
    "tpu.region"() ({
      %run_scoped3A = tpu.sem_alloc : memref<!tpu.dma_semaphore, #tpu.memory_space<semaphore_mem>>
      %dma_start3A = arith.constant 0 : i32
      %dma_start3A_76 = tpu.memref_slice %arg10[%add3A_17, %dma_start3A] : memref<10240x128xf32, #tpu.memory_space<vmem_shared>> -> memref<128x128xf32, #tpu.memory_space<vmem_shared>>
      %dma_start3A_77 = arith.constant 0 : i32
      %dma_start3A_78 = tpu.memref_slice %arg10[%add3A_17, %dma_start3A_77] : memref<10240x128xf32, #tpu.memory_space<vmem_shared>> -> memref<128x128xf32, #tpu.memory_space<vmem_shared>>
      tpu.enqueue_dma source(%arg9 : memref<128x128xf32, #tpu.memory_space<vmem>>) target(%dma_start3A_78 : memref<128x128xf32, #tpu.memory_space<vmem_shared>>) target_semaphore(%run_scoped3A : memref<!tpu.dma_semaphore, #tpu.memory_space<semaphore_mem>>)
      %dma_wait3A = arith.constant 0 : i32
      %dma_wait3A_79 = tpu.memref_slice %arg10[%add3A_17, %dma_wait3A] : memref<10240x128xf32, #tpu.memory_space<vmem_shared>> -> memref<128x128xf32, #tpu.memory_space<vmem_shared>>
      %dma_wait3A_80 = arith.constant 0 : i32
      %dma_wait3A_81 = tpu.memref_slice %arg10[%add3A_17, %dma_wait3A_80] : memref<10240x128xf32, #tpu.memory_space<vmem_shared>> -> memref<128x128xf32, #tpu.memory_space<vmem_shared>>
      tpu.wait_dma2 semaphore(%run_scoped3A : memref<!tpu.dma_semaphore, #tpu.memory_space<semaphore_mem>>) src(%arg9 : memref<128x128xf32, #tpu.memory_space<vmem>>) dst(%dma_wait3A_81 : memref<128x128xf32, #tpu.memory_space<vmem_shared>>)
      tpu.yield
    }) : () -> ()
    %barrier3A = arith.constant 0 : index
    tpu.barrier barrier_id(%barrier3A)
    %eq3A = arith.constant 0 : i32
    %eq3A_18 = arith.cmpi eq, %arg0, %eq3A : i32
    %jit3A = arith.constant 118 : i32
    %jit3A_19 = arith.constant 40 : i32
    %select_n3A = arith.select %eq3A_18, %jit3A, %jit3A_19 : i32
    %eq3A_20 = arith.constant 0 : i32
    %eq3A_21 = arith.cmpi eq, %arg0, %eq3A_20 : i32
    %mul3A_22 = arith.constant 118 : i32
    %mul3A_23 = arith.muli %arg1, %mul3A_22 : i32
    %mul3A_24 = arith.constant 40 : i32
    %mul3A_25 = arith.muli %arg1, %mul3A_24 : i32
    %add3A_26 = arith.constant 1888 : i32
    %add3A_27 = arith.addi %add3A_26, %mul3A_25 : i32
    %select_n3A_28 = arith.select %eq3A_21, %mul3A_23, %add3A_27 : i32
    %mul3A_29 = arith.constant 128 : i32
    %mul3A_30 = arith.muli %select_n3A_28, %mul3A_29 : i32
    %while3A = arith.constant 0 : i32
    %while3A_31 = arith.constant 0 : i32
    %while3A_32 = arith.subi %select_n3A, %while3A_31 : i32
    %while3A_33 = arith.addi %while3A_31, %while3A_32 : i32
    %while3A_34 = arith.constant 1 : i32
    %while3A_35 = arith.divsi %while3A_32, %while3A_34 : i32
    %while3A_36 = arith.muli %while3A_35, %while3A_34 : i32
    %while3A_37 = arith.addi %while3A_31, %while3A_36 : i32
    %while3A_38 = arith.constant 1 : i32
    scf.for %while3A_76 = %while3A_31 to %while3A_37 step %while3A_38  : i32 {
      %mul3A_77 = arith.constant 128 : i32
      %mul3A_78 = arith.muli %while3A_76, %mul3A_77 : i32
      %add3A_79 = arith.addi %mul3A_30, %mul3A_78 : i32
      "tpu.region"() ({
        %run_scoped3A = tpu.sem_alloc : memref<!tpu.dma_semaphore, #tpu.memory_space<semaphore_mem>>
        %dma_start3A_84 = tpu.memref_slice %arg3[%add3A_79] : memref<323584xi32, #tpu.memory_space<hbm>> -> memref<128xi32, #tpu.memory_space<hbm>>
        %dma_start3A_85 = tpu.memref_slice %arg3[%add3A_79] : memref<323584xi32, #tpu.memory_space<hbm>> -> memref<128xi32, #tpu.memory_space<hbm>>
        tpu.enqueue_dma source(%dma_start3A_85 : memref<128xi32, #tpu.memory_space<hbm>>) target(%arg7 : memref<128xi32, #tpu.memory_space<vmem>>) target_semaphore(%run_scoped3A : memref<!tpu.dma_semaphore, #tpu.memory_space<semaphore_mem>>)
        %dma_wait3A_86 = tpu.memref_slice %arg3[%add3A_79] : memref<323584xi32, #tpu.memory_space<hbm>> -> memref<128xi32, #tpu.memory_space<hbm>>
        %dma_wait3A_87 = tpu.memref_slice %arg3[%add3A_79] : memref<323584xi32, #tpu.memory_space<hbm>> -> memref<128xi32, #tpu.memory_space<hbm>>
        tpu.wait_dma2 semaphore(%run_scoped3A : memref<!tpu.dma_semaphore, #tpu.memory_space<semaphore_mem>>) src(%dma_wait3A_87 : memref<128xi32, #tpu.memory_space<hbm>>) dst(%arg7 : memref<128xi32, #tpu.memory_space<vmem>>)
        tpu.yield
      }) : () -> ()
      "tpu.region"() ({
        %run_scoped3A = tpu.sem_alloc : memref<!tpu.dma_semaphore, #tpu.memory_space<semaphore_mem>>
        %dma_start3A_84 = tpu.memref_slice %arg4[%add3A_79] : memref<323584xi32, #tpu.memory_space<hbm>> -> memref<128xi32, #tpu.memory_space<hbm>>
        %dma_start3A_85 = tpu.memref_slice %arg4[%add3A_79] : memref<323584xi32, #tpu.memory_space<hbm>> -> memref<128xi32, #tpu.memory_space<hbm>>
        tpu.enqueue_dma source(%dma_start3A_85 : memref<128xi32, #tpu.memory_space<hbm>>) target(%arg8 : memref<128xi32, #tpu.memory_space<vmem>>) target_semaphore(%run_scoped3A : memref<!tpu.dma_semaphore, #tpu.memory_space<semaphore_mem>>)
        %dma_wait3A_86 = tpu.memref_slice %arg4[%add3A_79] : memref<323584xi32, #tpu.memory_space<hbm>> -> memref<128xi32, #tpu.memory_space<hbm>>
        %dma_wait3A_87 = tpu.memref_slice %arg4[%add3A_79] : memref<323584xi32, #tpu.memory_space<hbm>> -> memref<128xi32, #tpu.memory_space<hbm>>
        tpu.wait_dma2 semaphore(%run_scoped3A : memref<!tpu.dma_semaphore, #tpu.memory_space<semaphore_mem>>) src(%dma_wait3A_87 : memref<128xi32, #tpu.memory_space<hbm>>) dst(%arg8 : memref<128xi32, #tpu.memory_space<vmem>>)
        tpu.yield
      }) : () -> ()
      %dma_start3A = arith.constant 0 : i32
      %dma_start3A_80 = arith.constant 0 : i32
      %dma_start3A_81 = tpu.memref_slice %arg2[%dma_start3A, %dma_start3A_80] : memref<10000x128xf32, #tpu.memory_space<hbm>> -> memref<10000x128xf32, #tpu.memory_space<hbm>>
      tpu.enqueue_indirect_dma source(%dma_start3A_81 : memref<10000x128xf32, #tpu.memory_space<hbm>>) target(%arg9 : memref<128x128xf32, #tpu.memory_space<vmem>>) offsets(%arg7 : memref<128xi32, #tpu.memory_space<vmem>>) semaphore(%arg11 : memref<!tpu.dma_semaphore, #tpu.memory_space<semaphore_mem>>)
      %dma_wait3A = arith.constant 0 : i32
      %dma_wait3A_82 = arith.constant 0 : i32
      %dma_wait3A_83 = tpu.memref_slice %arg2[%dma_wait3A, %dma_wait3A_82] : memref<10000x128xf32, #tpu.memory_space<hbm>> -> memref<10000x128xf32, #tpu.memory_space<hbm>>
      tpu.wait_indirect_dma semaphore(%arg11 : memref<!tpu.dma_semaphore, #tpu.memory_space<semaphore_mem>>) src(%dma_wait3A_83 : memref<10000x128xf32, #tpu.memory_space<hbm>>) dst(%arg9 : memref<128x128xf32, #tpu.memory_space<vmem>>)
      "tpu.region"() ({
        %run_scoped3A = tpu.sem_alloc : memref<!tpu.dma_semaphore, #tpu.memory_space<semaphore_mem>>
        %dma_start3A_84 = arith.constant 0 : i32
        %dma_start3A_85 = arith.constant 0 : i32
        %dma_start3A_86 = tpu.memref_slice %arg10[%dma_start3A_84, %dma_start3A_85] : memref<10240x128xf32, #tpu.memory_space<vmem_shared>> -> memref<10240x128xf32, #tpu.memory_space<vmem_shared>>
        tpu.enqueue_indirect_dma source(%arg9 : memref<128x128xf32, #tpu.memory_space<vmem>>) target(%dma_start3A_86 : memref<10240x128xf32, #tpu.memory_space<vmem_shared>>) offsets(%arg8 : memref<128xi32, #tpu.memory_space<vmem>>) semaphore(%run_scoped3A : memref<!tpu.dma_semaphore, #tpu.memory_space<semaphore_mem>>) {add = true}
        %dma_wait3A_87 = arith.constant 0 : i32
        %dma_wait3A_88 = arith.constant 0 : i32
        %dma_wait3A_89 = tpu.memref_slice %arg10[%dma_wait3A_87, %dma_wait3A_88] : memref<10240x128xf32, #tpu.memory_space<vmem_shared>> -> memref<10240x128xf32, #tpu.memory_space<vmem_shared>>
        tpu.wait_indirect_dma semaphore(%run_scoped3A : memref<!tpu.dma_semaphore, #tpu.memory_space<semaphore_mem>>) src(%arg9 : memref<128x128xf32, #tpu.memory_space<vmem>>) dst(%dma_wait3A_89 : memref<10240x128xf32, #tpu.memory_space<vmem_shared>>)
        tpu.yield
      }) : () -> ()
    }
    %while3A_39 = arith.constant 1 : i32
    scf.for %while3A_76 = %while3A_37 to %while3A_33 step %while3A_39  : i32 {
      %mul3A_77 = arith.constant 128 : i32
      %mul3A_78 = arith.muli %while3A_76, %mul3A_77 : i32
      %add3A_79 = arith.addi %mul3A_30, %mul3A_78 : i32
      "tpu.region"() ({
        %run_scoped3A = tpu.sem_alloc : memref<!tpu.dma_semaphore, #tpu.memory_space<semaphore_mem>>
        %dma_start3A_84 = tpu.memref_slice %arg3[%add3A_79] : memref<323584xi32, #tpu.memory_space<hbm>> -> memref<128xi32, #tpu.memory_space<hbm>>
        %dma_start3A_85 = tpu.memref_slice %arg3[%add3A_79] : memref<323584xi32, #tpu.memory_space<hbm>> -> memref<128xi32, #tpu.memory_space<hbm>>
        tpu.enqueue_dma source(%dma_start3A_85 : memref<128xi32, #tpu.memory_space<hbm>>) target(%arg7 : memref<128xi32, #tpu.memory_space<vmem>>) target_semaphore(%run_scoped3A : memref<!tpu.dma_semaphore, #tpu.memory_space<semaphore_mem>>)
        %dma_wait3A_86 = tpu.memref_slice %arg3[%add3A_79] : memref<323584xi32, #tpu.memory_space<hbm>> -> memref<128xi32, #tpu.memory_space<hbm>>
        %dma_wait3A_87 = tpu.memref_slice %arg3[%add3A_79] : memref<323584xi32, #tpu.memory_space<hbm>> -> memref<128xi32, #tpu.memory_space<hbm>>
        tpu.wait_dma2 semaphore(%run_scoped3A : memref<!tpu.dma_semaphore, #tpu.memory_space<semaphore_mem>>) src(%dma_wait3A_87 : memref<128xi32, #tpu.memory_space<hbm>>) dst(%arg7 : memref<128xi32, #tpu.memory_space<vmem>>)
        tpu.yield
      }) : () -> ()
      "tpu.region"() ({
        %run_scoped3A = tpu.sem_alloc : memref<!tpu.dma_semaphore, #tpu.memory_space<semaphore_mem>>
        %dma_start3A_84 = tpu.memref_slice %arg4[%add3A_79] : memref<323584xi32, #tpu.memory_space<hbm>> -> memref<128xi32, #tpu.memory_space<hbm>>
        %dma_start3A_85 = tpu.memref_slice %arg4[%add3A_79] : memref<323584xi32, #tpu.memory_space<hbm>> -> memref<128xi32, #tpu.memory_space<hbm>>
        tpu.enqueue_dma source(%dma_start3A_85 : memref<128xi32, #tpu.memory_space<hbm>>) target(%arg8 : memref<128xi32, #tpu.memory_space<vmem>>) target_semaphore(%run_scoped3A : memref<!tpu.dma_semaphore, #tpu.memory_space<semaphore_mem>>)
        %dma_wait3A_86 = tpu.memref_slice %arg4[%add3A_79] : memref<323584xi32, #tpu.memory_space<hbm>> -> memref<128xi32, #tpu.memory_space<hbm>>
        %dma_wait3A_87 = tpu.memref_slice %arg4[%add3A_79] : memref<323584xi32, #tpu.memory_space<hbm>> -> memref<128xi32, #tpu.memory_space<hbm>>
        tpu.wait_dma2 semaphore(%run_scoped3A : memref<!tpu.dma_semaphore, #tpu.memory_space<semaphore_mem>>) src(%dma_wait3A_87 : memref<128xi32, #tpu.memory_space<hbm>>) dst(%arg8 : memref<128xi32, #tpu.memory_space<vmem>>)
        tpu.yield
      }) : () -> ()
      %dma_start3A = arith.constant 0 : i32
      %dma_start3A_80 = arith.constant 0 : i32
      %dma_start3A_81 = tpu.memref_slice %arg2[%dma_start3A, %dma_start3A_80] : memref<10000x128xf32, #tpu.memory_space<hbm>> -> memref<10000x128xf32, #tpu.memory_space<hbm>>
      tpu.enqueue_indirect_dma source(%dma_start3A_81 : memref<10000x128xf32, #tpu.memory_space<hbm>>) target(%arg9 : memref<128x128xf32, #tpu.memory_space<vmem>>) offsets(%arg7 : memref<128xi32, #tpu.memory_space<vmem>>) semaphore(%arg11 : memref<!tpu.dma_semaphore, #tpu.memory_space<semaphore_mem>>)
      %dma_wait3A = arith.constant 0 : i32
      %dma_wait3A_82 = arith.constant 0 : i32
      %dma_wait3A_83 = tpu.memref_slice %arg2[%dma_wait3A, %dma_wait3A_82] : memref<10000x128xf32, #tpu.memory_space<hbm>> -> memref<10000x128xf32, #tpu.memory_space<hbm>>
      tpu.wait_indirect_dma semaphore(%arg11 : memref<!tpu.dma_semaphore, #tpu.memory_space<semaphore_mem>>) src(%dma_wait3A_83 : memref<10000x128xf32, #tpu.memory_space<hbm>>) dst(%arg9 : memref<128x128xf32, #tpu.memory_space<vmem>>)
      "tpu.region"() ({
        %run_scoped3A = tpu.sem_alloc : memref<!tpu.dma_semaphore, #tpu.memory_space<semaphore_mem>>
        %dma_start3A_84 = arith.constant 0 : i32
        %dma_start3A_85 = arith.constant 0 : i32
        %dma_start3A_86 = tpu.memref_slice %arg10[%dma_start3A_84, %dma_start3A_85] : memref<10240x128xf32, #tpu.memory_space<vmem_shared>> -> memref<10240x128xf32, #tpu.memory_space<vmem_shared>>
        tpu.enqueue_indirect_dma source(%arg9 : memref<128x128xf32, #tpu.memory_space<vmem>>) target(%dma_start3A_86 : memref<10240x128xf32, #tpu.memory_space<vmem_shared>>) offsets(%arg8 : memref<128xi32, #tpu.memory_space<vmem>>) semaphore(%run_scoped3A : memref<!tpu.dma_semaphore, #tpu.memory_space<semaphore_mem>>) {add = true}
        %dma_wait3A_87 = arith.constant 0 : i32
        %dma_wait3A_88 = arith.constant 0 : i32
        %dma_wait3A_89 = tpu.memref_slice %arg10[%dma_wait3A_87, %dma_wait3A_88] : memref<10240x128xf32, #tpu.memory_space<vmem_shared>> -> memref<10240x128xf32, #tpu.memory_space<vmem_shared>>
        tpu.wait_indirect_dma semaphore(%run_scoped3A : memref<!tpu.dma_semaphore, #tpu.memory_space<semaphore_mem>>) src(%arg9 : memref<128x128xf32, #tpu.memory_space<vmem>>) dst(%dma_wait3A_89 : memref<10240x128xf32, #tpu.memory_space<vmem_shared>>)
        tpu.yield
      }) : () -> ()
    }
    %barrier3A_40 = arith.constant 0 : index
    tpu.barrier barrier_id(%barrier3A_40)
    %mul3A_41 = arith.constant 640 : i32
    %mul3A_42 = arith.muli %arg1, %mul3A_41 : i32
    %add3A_43 = arith.constant 0 : i32
    %add3A_44 = arith.addi %mul3A_42, %add3A_43 : i32
    %mul3A_45 = arith.constant 10240 : i32
    %mul3A_46 = arith.muli %arg0, %mul3A_45 : i32
    %add3A_47 = arith.addi %mul3A_46, %add3A_44 : i32
    "tpu.region"() ({
      %run_scoped3A = tpu.sem_alloc : memref<!tpu.dma_semaphore, #tpu.memory_space<semaphore_mem>>
      %dma_start3A = arith.constant 0 : i32
      %dma_start3A_76 = tpu.memref_slice %arg6[%add3A_47, %dma_start3A] : memref<20480x128xf32, #tpu.memory_space<hbm>> -> memref<128x128xf32, #tpu.memory_space<hbm>>
      %dma_start3A_77 = arith.constant 0 : i32
      %dma_start3A_78 = tpu.memref_slice %arg10[%add3A_44, %dma_start3A_77] : memref<10240x128xf32, #tpu.memory_space<vmem_shared>> -> memref<128x128xf32, #tpu.memory_space<vmem_shared>>
      tpu.enqueue_dma source(%dma_start3A_78 : memref<128x128xf32, #tpu.memory_space<vmem_shared>>) target(%dma_start3A_76 : memref<128x128xf32, #tpu.memory_space<hbm>>) target_semaphore(%run_scoped3A : memref<!tpu.dma_semaphore, #tpu.memory_space<semaphore_mem>>)
      %dma_wait3A = arith.constant 0 : i32
      %dma_wait3A_79 = tpu.memref_slice %arg6[%add3A_47, %dma_wait3A] : memref<20480x128xf32, #tpu.memory_space<hbm>> -> memref<128x128xf32, #tpu.memory_space<hbm>>
      %dma_wait3A_80 = arith.constant 0 : i32
      %dma_wait3A_81 = tpu.memref_slice %arg10[%add3A_44, %dma_wait3A_80] : memref<10240x128xf32, #tpu.memory_space<vmem_shared>> -> memref<128x128xf32, #tpu.memory_space<vmem_shared>>
      tpu.wait_dma2 semaphore(%run_scoped3A : memref<!tpu.dma_semaphore, #tpu.memory_space<semaphore_mem>>) src(%dma_wait3A_81 : memref<128x128xf32, #tpu.memory_space<vmem_shared>>) dst(%dma_wait3A_79 : memref<128x128xf32, #tpu.memory_space<hbm>>)
      tpu.yield
    }) : () -> ()
    %mul3A_48 = arith.constant 640 : i32
    %mul3A_49 = arith.muli %arg1, %mul3A_48 : i32
    %add3A_50 = arith.constant 128 : i32
    %add3A_51 = arith.addi %mul3A_49, %add3A_50 : i32
    %mul3A_52 = arith.constant 10240 : i32
    %mul3A_53 = arith.muli %arg0, %mul3A_52 : i32
    %add3A_54 = arith.addi %mul3A_53, %add3A_51 : i32
    "tpu.region"() ({
      %run_scoped3A = tpu.sem_alloc : memref<!tpu.dma_semaphore, #tpu.memory_space<semaphore_mem>>
      %dma_start3A = arith.constant 0 : i32
      %dma_start3A_76 = tpu.memref_slice %arg6[%add3A_54, %dma_start3A] : memref<20480x128xf32, #tpu.memory_space<hbm>> -> memref<128x128xf32, #tpu.memory_space<hbm>>
      %dma_start3A_77 = arith.constant 0 : i32
      %dma_start3A_78 = tpu.memref_slice %arg10[%add3A_51, %dma_start3A_77] : memref<10240x128xf32, #tpu.memory_space<vmem_shared>> -> memref<128x128xf32, #tpu.memory_space<vmem_shared>>
      tpu.enqueue_dma source(%dma_start3A_78 : memref<128x128xf32, #tpu.memory_space<vmem_shared>>) target(%dma_start3A_76 : memref<128x128xf32, #tpu.memory_space<hbm>>) target_semaphore(%run_scoped3A : memref<!tpu.dma_semaphore, #tpu.memory_space<semaphore_mem>>)
      %dma_wait3A = arith.constant 0 : i32
      %dma_wait3A_79 = tpu.memref_slice %arg6[%add3A_54, %dma_wait3A] : memref<20480x128xf32, #tpu.memory_space<hbm>> -> memref<128x128xf32, #tpu.memory_space<hbm>>
      %dma_wait3A_80 = arith.constant 0 : i32
      %dma_wait3A_81 = tpu.memref_slice %arg10[%add3A_51, %dma_wait3A_80] : memref<10240x128xf32, #tpu.memory_space<vmem_shared>> -> memref<128x128xf32, #tpu.memory_space<vmem_shared>>
      tpu.wait_dma2 semaphore(%run_scoped3A : memref<!tpu.dma_semaphore, #tpu.memory_space<semaphore_mem>>) src(%dma_wait3A_81 : memref<128x128xf32, #tpu.memory_space<vmem_shared>>) dst(%dma_wait3A_79 : memref<128x128xf32, #tpu.memory_space<hbm>>)
      tpu.yield
    }) : () -> ()
    %mul3A_55 = arith.constant 640 : i32
    %mul3A_56 = arith.muli %arg1, %mul3A_55 : i32
    %add3A_57 = arith.constant 256 : i32
    %add3A_58 = arith.addi %mul3A_56, %add3A_57 : i32
    %mul3A_59 = arith.constant 10240 : i32
    %mul3A_60 = arith.muli %arg0, %mul3A_59 : i32
    %add3A_61 = arith.addi %mul3A_60, %add3A_58 : i32
    "tpu.region"() ({
      %run_scoped3A = tpu.sem_alloc : memref<!tpu.dma_semaphore, #tpu.memory_space<semaphore_mem>>
      %dma_start3A = arith.constant 0 : i32
      %dma_start3A_76 = tpu.memref_slice %arg6[%add3A_61, %dma_start3A] : memref<20480x128xf32, #tpu.memory_space<hbm>> -> memref<128x128xf32, #tpu.memory_space<hbm>>
      %dma_start3A_77 = arith.constant 0 : i32
      %dma_start3A_78 = tpu.memref_slice %arg10[%add3A_58, %dma_start3A_77] : memref<10240x128xf32, #tpu.memory_space<vmem_shared>> -> memref<128x128xf32, #tpu.memory_space<vmem_shared>>
      tpu.enqueue_dma source(%dma_start3A_78 : memref<128x128xf32, #tpu.memory_space<vmem_shared>>) target(%dma_start3A_76 : memref<128x128xf32, #tpu.memory_space<hbm>>) target_semaphore(%run_scoped3A : memref<!tpu.dma_semaphore, #tpu.memory_space<semaphore_mem>>)
      %dma_wait3A = arith.constant 0 : i32
      %dma_wait3A_79 = tpu.memref_slice %arg6[%add3A_61, %dma_wait3A] : memref<20480x128xf32, #tpu.memory_space<hbm>> -> memref<128x128xf32, #tpu.memory_space<hbm>>
      %dma_wait3A_80 = arith.constant 0 : i32
      %dma_wait3A_81 = tpu.memref_slice %arg10[%add3A_58, %dma_wait3A_80] : memref<10240x128xf32, #tpu.memory_space<vmem_shared>> -> memref<128x128xf32, #tpu.memory_space<vmem_shared>>
      tpu.wait_dma2 semaphore(%run_scoped3A : memref<!tpu.dma_semaphore, #tpu.memory_space<semaphore_mem>>) src(%dma_wait3A_81 : memref<128x128xf32, #tpu.memory_space<vmem_shared>>) dst(%dma_wait3A_79 : memref<128x128xf32, #tpu.memory_space<hbm>>)
      tpu.yield
    }) : () -> ()
    %mul3A_62 = arith.constant 640 : i32
    %mul3A_63 = arith.muli %arg1, %mul3A_62 : i32
    %add3A_64 = arith.constant 384 : i32
    %add3A_65 = arith.addi %mul3A_63, %add3A_64 : i32
    %mul3A_66 = arith.constant 10240 : i32
    %mul3A_67 = arith.muli %arg0, %mul3A_66 : i32
    %add3A_68 = arith.addi %mul3A_67, %add3A_65 : i32
    "tpu.region"() ({
      %run_scoped3A = tpu.sem_alloc : memref<!tpu.dma_semaphore, #tpu.memory_space<semaphore_mem>>
      %dma_start3A = arith.constant 0 : i32
      %dma_start3A_76 = tpu.memref_slice %arg6[%add3A_68, %dma_start3A] : memref<20480x128xf32, #tpu.memory_space<hbm>> -> memref<128x128xf32, #tpu.memory_space<hbm>>
      %dma_start3A_77 = arith.constant 0 : i32
      %dma_start3A_78 = tpu.memref_slice %arg10[%add3A_65, %dma_start3A_77] : memref<10240x128xf32, #tpu.memory_space<vmem_shared>> -> memref<128x128xf32, #tpu.memory_space<vmem_shared>>
      tpu.enqueue_dma source(%dma_start3A_78 : memref<128x128xf32, #tpu.memory_space<vmem_shared>>) target(%dma_start3A_76 : memref<128x128xf32, #tpu.memory_space<hbm>>) target_semaphore(%run_scoped3A : memref<!tpu.dma_semaphore, #tpu.memory_space<semaphore_mem>>)
      %dma_wait3A = arith.constant 0 : i32
      %dma_wait3A_79 = tpu.memref_slice %arg6[%add3A_68, %dma_wait3A] : memref<20480x128xf32, #tpu.memory_space<hbm>> -> memref<128x128xf32, #tpu.memory_space<hbm>>
      %dma_wait3A_80 = arith.constant 0 : i32
      %dma_wait3A_81 = tpu.memref_slice %arg10[%add3A_65, %dma_wait3A_80] : memref<10240x128xf32, #tpu.memory_space<vmem_shared>> -> memref<128x128xf32, #tpu.memory_space<vmem_shared>>
      tpu.wait_dma2 semaphore(%run_scoped3A : memref<!tpu.dma_semaphore, #tpu.memory_space<semaphore_mem>>) src(%dma_wait3A_81 : memref<128x128xf32, #tpu.memory_space<vmem_shared>>) dst(%dma_wait3A_79 : memref<128x128xf32, #tpu.memory_space<hbm>>)
      tpu.yield
    }) : () -> ()
    %mul3A_69 = arith.constant 640 : i32
    %mul3A_70 = arith.muli %arg1, %mul3A_69 : i32
    %add3A_71 = arith.constant 512 : i32
    %add3A_72 = arith.addi %mul3A_70, %add3A_71 : i32
    %mul3A_73 = arith.constant 10240 : i32
    %mul3A_74 = arith.muli %arg0, %mul3A_73 : i32
    %add3A_75 = arith.addi %mul3A_74, %add3A_72 : i32
    "tpu.region"() ({
      %run_scoped3A = tpu.sem_alloc : memref<!tpu.dma_semaphore, #tpu.memory_space<semaphore_mem>>
      %dma_start3A = arith.constant 0 : i32
      %dma_start3A_76 = tpu.memref_slice %arg6[%add3A_75, %dma_start3A] : memref<20480x128xf32, #tpu.memory_space<hbm>> -> memref<128x128xf32, #tpu.memory_space<hbm>>
      %dma_start3A_77 = arith.constant 0 : i32
      %dma_start3A_78 = tpu.memref_slice %arg10[%add3A_72, %dma_start3A_77] : memref<10240x128xf32, #tpu.memory_space<vmem_shared>> -> memref<128x128xf32, #tpu.memory_space<vmem_shared>>
      tpu.enqueue_dma source(%dma_start3A_78 : memref<128x128xf32, #tpu.memory_space<vmem_shared>>) target(%dma_start3A_76 : memref<128x128xf32, #tpu.memory_space<hbm>>) target_semaphore(%run_scoped3A : memref<!tpu.dma_semaphore, #tpu.memory_space<semaphore_mem>>)
      %dma_wait3A = arith.constant 0 : i32
      %dma_wait3A_79 = tpu.memref_slice %arg6[%add3A_75, %dma_wait3A] : memref<20480x128xf32, #tpu.memory_space<hbm>> -> memref<128x128xf32, #tpu.memory_space<hbm>>
      %dma_wait3A_80 = arith.constant 0 : i32
      %dma_wait3A_81 = tpu.memref_slice %arg10[%add3A_72, %dma_wait3A_80] : memref<10240x128xf32, #tpu.memory_space<vmem_shared>> -> memref<128x128xf32, #tpu.memory_space<vmem_shared>>
      tpu.wait_dma2 semaphore(%run_scoped3A : memref<!tpu.dma_semaphore, #tpu.memory_space<semaphore_mem>>) src(%dma_wait3A_81 : memref<128x128xf32, #tpu.memory_space<vmem_shared>>) dst(%dma_wait3A_79 : memref<128x128xf32, #tpu.memory_space<hbm>>)
      tpu.yield
    }) : () -> ()
    return
  }
}

module attributes {stable_mosaic.version = 14 : i64} {
  func.func @body(%arg0: memref<32x80x128xf32, #tpu.memory_space<vmem>>, %arg1: memref<80x128xf32, #tpu.memory_space<vmem>>) attributes {dimension_semantics = [], scalar_prefetch = 0 : i64, scratch_operands = 0 : i64, tpu.core_type = #tpu.core_type<tc>} {
    %get3A = arith.constant 0 : index
    %get3A_0 = arith.constant 0 : index
    %get3A_1 = arith.constant 0 : index
    %get3A_2 = vector.load %arg0[%get3A, %get3A_0, %get3A_1] : memref<32x80x128xf32, #tpu.memory_space<vmem>>, vector<32x80x128xf32>
    %reduce_sum3A = arith.constant dense<0.000000e+00> : vector<80x128xf32>
    %reduce_sum3A_3 = vector.multi_reduction <add>, %get3A_2, %reduce_sum3A [0] : vector<32x80x128xf32> to vector<80x128xf32>
    %add3A = arith.constant 1.000000e+00 : f32
    %add3A_4 = vector.broadcast %add3A : f32 to vector<80x128xf32>
    %add3A_5 = arith.addf %reduce_sum3A_3, %add3A_4 : vector<80x128xf32>
    %rsqrt3A = math.rsqrt %add3A_5 : vector<80x128xf32>
    %swap3A = arith.constant 0 : index
    %swap3A_6 = arith.constant 0 : index
    %swap3A_7 = vector.load %arg1[%swap3A, %swap3A_6] : memref<80x128xf32, #tpu.memory_space<vmem>>, vector<80x128xf32>
    tpu.vector_store %arg1[%swap3A, %swap3A_6], %rsqrt3A {strides = array<i32>} : memref<80x128xf32, #tpu.memory_space<vmem>>, vector<80x128xf32>,
    return
  }
}

module attributes {stable_mosaic.version = 14 : i64} {
  func.func @body(%arg0: i32, %arg1: memref<1000x128xf32, #tpu.memory_space<vmem>>, %arg2: memref<128x128xf32, #tpu.memory_space<vmem>>, %arg3: memref<1000x1xf32, #tpu.memory_space<vmem>>, %arg4: memref<1000x128xf32, #tpu.memory_space<vmem>>) attributes {dimension_semantics = [#tpu.dimension_semantics<arbitrary>], iteration_bounds = array<i64: 10>, scalar_prefetch = 0 : i64, scratch_operands = 0 : i64, tpu.core_type = #tpu.core_type<tc>, window_params = [{transform_indices = @transform_0, window_bounds = array<i64: 1000, 128>}, {pipeline_mode = #tpu.pipeline_mode<synchronous>, transform_indices = @transform_1, window_bounds = array<i64: 128, 128>}, {transform_indices = @transform_2, window_bounds = array<i64: 1000, 1>}, {transform_indices = @transform_3, window_bounds = array<i64: 1000, 128>}]} {
    %get3A = arith.constant 0 : index
    %get3A_0 = arith.constant 0 : index
    %get3A_1 = vector.load %arg3[%get3A, %get3A_0] : memref<1000x1xf32, #tpu.memory_space<vmem>>, vector<1000x1xf32>
    %get3A_2 = arith.constant 0 : index
    %get3A_3 = arith.constant 0 : index
    %get3A_4 = vector.load %arg1[%get3A_2, %get3A_3] : memref<1000x128xf32, #tpu.memory_space<vmem>>, vector<1000x128xf32>
    %get3A_5 = arith.constant 0 : index
    %get3A_6 = arith.constant 0 : index
    %get3A_7 = vector.load %arg2[%get3A_5, %get3A_6] : memref<128x128xf32, #tpu.memory_space<vmem>>, vector<128x128xf32>
    %dot_general3A = arith.constant dense<0.000000e+00> : vector<1000x128xf32>
    %dot_general3A_8 = tpu.matmul %get3A_4, %get3A_7, %dot_general3A {dimension_numbers = #tpu.dot_dimension_numbers<[1], [0], [0], [1], [0, 0, 1, 1], [], []>, transpose_lhs_hint = false} : vector<1000x128xf32>, vector<128x128xf32>, vector<1000x128xf32> -> vector<1000x128xf32>
    %mul3A = vector.broadcast %get3A_1 : vector<1000x1xf32> to vector<1000x128xf32>
    %mul3A_9 = arith.mulf %mul3A, %dot_general3A_8 : vector<1000x128xf32>
    %swap3A = arith.constant 0 : index
    %swap3A_10 = arith.constant 0 : index
    %swap3A_11 = vector.load %arg4[%swap3A, %swap3A_10] : memref<1000x128xf32, #tpu.memory_space<vmem>>, vector<1000x128xf32>
    tpu.vector_store %arg4[%swap3A, %swap3A_10], %mul3A_9 {strides = array<i32>} : memref<1000x128xf32, #tpu.memory_space<vmem>>, vector<1000x128xf32>,
    return
  }
  func.func @transform_0(%arg0: i32) -> (i32, i32) {
    %c0_i32 = arith.constant 0 : i32
    %c0_i32_0 = arith.constant 0 : i32
    return %arg0, %c0_i32 : i32, i32
  }
  func.func @transform_1(%arg0: i32) -> (i32, i32) {
    %c0_i32 = arith.constant 0 : i32
    %c0_i32_0 = arith.constant 0 : i32
    %c0_i32_1 = arith.constant 0 : i32
    return %c0_i32, %c0_i32_0 : i32, i32
  }
  func.func @transform_2(%arg0: i32) -> (i32, i32) {
    %c0_i32 = arith.constant 0 : i32
    %c0_i32_0 = arith.constant 0 : i32
    return %arg0, %c0_i32 : i32, i32
  }
  func.func @transform_3(%arg0: i32) -> (i32, i32) {
    %c0_i32 = arith.constant 0 : i32
    %c0_i32_0 = arith.constant 0 : i32
    return %arg0, %c0_i32 : i32, i32
  }
}

module attributes {stable_mosaic.version = 14 : i64} {
  func.func @body(%arg0: i32, %arg1: memref<2x1000x128xf32, #tpu.memory_space<vmem>>, %arg2: memref<1000x128xf32, #tpu.memory_space<vmem>>, %arg3: memref<1000x1xf32, #tpu.memory_space<vmem>>, %arg4: memref<1x128xf32, #tpu.memory_space<vmem>>, %arg5: memref<128x128xf32, #tpu.memory_space<vmem>>, %arg6: memref<1000x128xf32, #tpu.memory_space<vmem>>) attributes {dimension_semantics = [#tpu.dimension_semantics<arbitrary>], iteration_bounds = array<i64: 10>, scalar_prefetch = 0 : i64, scratch_operands = 0 : i64, tpu.core_type = #tpu.core_type<tc>, window_params = [{transform_indices = @transform_0, window_bounds = array<i64: 2, 1000, 128>}, {transform_indices = @transform_1, window_bounds = array<i64: 1000, 128>}, {transform_indices = @transform_2, window_bounds = array<i64: 1000, 1>}, {pipeline_mode = #tpu.pipeline_mode<synchronous>, transform_indices = @transform_3, window_bounds = array<i64: 1, 128>}, {pipeline_mode = #tpu.pipeline_mode<synchronous>, transform_indices = @transform_4, window_bounds = array<i64: 128, 128>}, {transform_indices = @transform_5, window_bounds = array<i64: 1000, 128>}]} {
    %get3A = arith.constant 0 : index
    %get3A_0 = arith.constant 0 : index
    %get3A_1 = arith.constant 0 : index
    %get3A_2 = vector.load %arg1[%get3A, %get3A_0, %get3A_1] : memref<2x1000x128xf32, #tpu.memory_space<vmem>>, vector<1x1000x128xf32>
    %get3A_3 = vector.shape_cast %get3A_2 : vector<1x1000x128xf32> to vector<1000x128xf32>
    %get3A_4 = arith.constant 1 : index
    %get3A_5 = arith.constant 0 : index
    %get3A_6 = arith.constant 0 : index
    %get3A_7 = vector.load %arg1[%get3A_4, %get3A_5, %get3A_6] : memref<2x1000x128xf32, #tpu.memory_space<vmem>>, vector<1x1000x128xf32>
    %get3A_8 = vector.shape_cast %get3A_7 : vector<1x1000x128xf32> to vector<1000x128xf32>
    %add3A = arith.addf %get3A_3, %get3A_8 : vector<1000x128xf32>
    %get3A_9 = arith.constant 0 : index
    %get3A_10 = arith.constant 0 : index
    %get3A_11 = vector.load %arg2[%get3A_9, %get3A_10] : memref<1000x128xf32, #tpu.memory_space<vmem>>, vector<1000x128xf32>
    %add3A_12 = arith.addf %add3A, %get3A_11 : vector<1000x128xf32>
    %get3A_13 = arith.constant 0 : index
    %get3A_14 = arith.constant 0 : index
    %get3A_15 = vector.load %arg3[%get3A_13, %get3A_14] : memref<1000x1xf32, #tpu.memory_space<vmem>>, vector<1000x1xf32>
    %mul3A = vector.broadcast %get3A_15 : vector<1000x1xf32> to vector<1000x128xf32>
    %mul3A_16 = arith.mulf %mul3A, %add3A_12 : vector<1000x128xf32>
    %get3A_17 = arith.constant 0 : index
    %get3A_18 = arith.constant 0 : index
    %get3A_19 = vector.load %arg4[%get3A_17, %get3A_18] : memref<1x128xf32, #tpu.memory_space<vmem>>, vector<1x128xf32>
    %add3A_20 = vector.broadcast %get3A_19 : vector<1x128xf32> to vector<1000x128xf32>
    %add3A_21 = arith.addf %mul3A_16, %add3A_20 : vector<1000x128xf32>
    %max3A = arith.constant 0.000000e+00 : f32
    %max3A_22 = vector.broadcast %max3A : f32 to vector<1000x128xf32>
    %max3A_23 = arith.maximumf %add3A_21, %max3A_22 : vector<1000x128xf32>
    %get3A_24 = arith.constant 0 : index
    %get3A_25 = arith.constant 0 : index
    %get3A_26 = vector.load %arg3[%get3A_24, %get3A_25] : memref<1000x1xf32, #tpu.memory_space<vmem>>, vector<1000x1xf32>
    %get3A_27 = arith.constant 0 : index
    %get3A_28 = arith.constant 0 : index
    %get3A_29 = vector.load %arg5[%get3A_27, %get3A_28] : memref<128x128xf32, #tpu.memory_space<vmem>>, vector<128x128xf32>
    %dot_general3A = arith.constant dense<0.000000e+00> : vector<1000x128xf32>
    %dot_general3A_30 = tpu.matmul %max3A_23, %get3A_29, %dot_general3A {dimension_numbers = #tpu.dot_dimension_numbers<[1], [0], [0], [1], [0, 0, 1, 1], [], []>, transpose_lhs_hint = false} : vector<1000x128xf32>, vector<128x128xf32>, vector<1000x128xf32> -> vector<1000x128xf32>
    %mul3A_31 = vector.broadcast %get3A_26 : vector<1000x1xf32> to vector<1000x128xf32>
    %mul3A_32 = arith.mulf %mul3A_31, %dot_general3A_30 : vector<1000x128xf32>
    %swap3A = arith.constant 0 : index
    %swap3A_33 = arith.constant 0 : index
    %swap3A_34 = vector.load %arg6[%swap3A, %swap3A_33] : memref<1000x128xf32, #tpu.memory_space<vmem>>, vector<1000x128xf32>
    tpu.vector_store %arg6[%swap3A, %swap3A_33], %mul3A_32 {strides = array<i32>} : memref<1000x128xf32, #tpu.memory_space<vmem>>, vector<1000x128xf32>,
    return
  }
  func.func @transform_0(%arg0: i32) -> (i32, i32, i32) {
    %c0_i32 = arith.constant 0 : i32
    %c0_i32_0 = arith.constant 0 : i32
    %c0_i32_1 = arith.constant 0 : i32
    return %c0_i32, %arg0, %c0_i32_0 : i32, i32, i32
  }
  func.func @transform_1(%arg0: i32) -> (i32, i32) {
    %c0_i32 = arith.constant 0 : i32
    %c0_i32_0 = arith.constant 0 : i32
    return %arg0, %c0_i32 : i32, i32
  }
  func.func @transform_2(%arg0: i32) -> (i32, i32) {
    %c0_i32 = arith.constant 0 : i32
    %c0_i32_0 = arith.constant 0 : i32
    return %arg0, %c0_i32 : i32, i32
  }
  func.func @transform_3(%arg0: i32) -> (i32, i32) {
    %c0_i32 = arith.constant 0 : i32
    %c0_i32_0 = arith.constant 0 : i32
    %c0_i32_1 = arith.constant 0 : i32
    return %c0_i32, %c0_i32_0 : i32, i32
  }
  func.func @transform_4(%arg0: i32) -> (i32, i32) {
    %c0_i32 = arith.constant 0 : i32
    %c0_i32_0 = arith.constant 0 : i32
    %c0_i32_1 = arith.constant 0 : i32
    return %c0_i32, %c0_i32_0 : i32, i32
  }
  func.func @transform_5(%arg0: i32) -> (i32, i32) {
    %c0_i32 = arith.constant 0 : i32
    %c0_i32_0 = arith.constant 0 : i32
    return %arg0, %c0_i32 : i32, i32
  }
}

module attributes {stable_mosaic.version = 14 : i64} {
  func.func @body(%arg0: i32, %arg1: memref<2x1000x128xf32, #tpu.memory_space<vmem>>, %arg2: memref<1000x128xf32, #tpu.memory_space<vmem>>, %arg3: memref<1000x1xf32, #tpu.memory_space<vmem>>, %arg4: memref<1x128xf32, #tpu.memory_space<vmem>>, %arg5: memref<384x16xf32, #tpu.memory_space<vmem>>, %arg6: memref<1x16xf32, #tpu.memory_space<vmem>>, %arg7: memref<1x16xf32, #tpu.memory_space<vmem>>, %arg8: memref<1x128xf32, #tpu.memory_space<vmem>>, %arg9: memref<1x128xf32, #tpu.memory_space<vmem>>) attributes {dimension_semantics = [#tpu.dimension_semantics<arbitrary>], iteration_bounds = array<i64: 10>, scalar_prefetch = 0 : i64, scratch_operands = 2 : i64, tpu.core_type = #tpu.core_type<tc>, window_params = [{transform_indices = @transform_0, window_bounds = array<i64: 2, 1000, 128>}, {transform_indices = @transform_1, window_bounds = array<i64: 1000, 128>}, {transform_indices = @transform_2, window_bounds = array<i64: 1000, 1>}, {pipeline_mode = #tpu.pipeline_mode<synchronous>, transform_indices = @transform_3, window_bounds = array<i64: 1, 128>}, {pipeline_mode = #tpu.pipeline_mode<synchronous>, transform_indices = @transform_4, window_bounds = array<i64: 384, 16>}, {pipeline_mode = #tpu.pipeline_mode<synchronous>, transform_indices = @transform_5, window_bounds = array<i64: 1, 16>}, {pipeline_mode = #tpu.pipeline_mode<synchronous>, transform_indices = @transform_6, window_bounds = array<i64: 1, 16>}]} {
    %get3A = arith.constant 0 : index
    %get3A_0 = arith.constant 0 : index
    %get3A_1 = arith.constant 0 : index
    %get3A_2 = vector.load %arg1[%get3A, %get3A_0, %get3A_1] : memref<2x1000x128xf32, #tpu.memory_space<vmem>>, vector<1x1000x128xf32>
    %get3A_3 = vector.shape_cast %get3A_2 : vector<1x1000x128xf32> to vector<1000x128xf32>
    %get3A_4 = arith.constant 1 : index
    %get3A_5 = arith.constant 0 : index
    %get3A_6 = arith.constant 0 : index
    %get3A_7 = vector.load %arg1[%get3A_4, %get3A_5, %get3A_6] : memref<2x1000x128xf32, #tpu.memory_space<vmem>>, vector<1x1000x128xf32>
    %get3A_8 = vector.shape_cast %get3A_7 : vector<1x1000x128xf32> to vector<1000x128xf32>
    %add3A = arith.addf %get3A_3, %get3A_8 : vector<1000x128xf32>
    %get3A_9 = arith.constant 0 : index
    %get3A_10 = arith.constant 0 : index
    %get3A_11 = vector.load %arg2[%get3A_9, %get3A_10] : memref<1000x128xf32, #tpu.memory_space<vmem>>, vector<1000x128xf32>
    %add3A_12 = arith.addf %add3A, %get3A_11 : vector<1000x128xf32>
    %get3A_13 = arith.constant 0 : index
    %get3A_14 = arith.constant 0 : index
    %get3A_15 = vector.load %arg3[%get3A_13, %get3A_14] : memref<1000x1xf32, #tpu.memory_space<vmem>>, vector<1000x1xf32>
    %mul3A = vector.broadcast %get3A_15 : vector<1000x1xf32> to vector<1000x128xf32>
    %mul3A_16 = arith.mulf %mul3A, %add3A_12 : vector<1000x128xf32>
    %get3A_17 = arith.constant 0 : index
    %get3A_18 = arith.constant 0 : index
    %get3A_19 = vector.load %arg4[%get3A_17, %get3A_18] : memref<1x128xf32, #tpu.memory_space<vmem>>, vector<1x128xf32>
    %add3A_20 = vector.broadcast %get3A_19 : vector<1x128xf32> to vector<1000x128xf32>
    %add3A_21 = arith.addf %mul3A_16, %add3A_20 : vector<1000x128xf32>
    %max3A = arith.constant 0.000000e+00 : f32
    %max3A_22 = vector.broadcast %max3A : f32 to vector<1000x128xf32>
    %max3A_23 = arith.maximumf %add3A_21, %max3A_22 : vector<1000x128xf32>
    %reduce_sum3A = arith.constant dense<0.000000e+00> : vector<128xf32>
    %reduce_sum3A_24 = vector.multi_reduction <add>, %max3A_23, %reduce_sum3A [0] : vector<1000x128xf32> to vector<128xf32>
    %broadcast_in_dim3A = vector.shape_cast %reduce_sum3A_24 : vector<128xf32> to vector<1x128xf32>
    %reduce_max3A = arith.constant dense<0xFF800000> : vector<128xf32>
    %reduce_max3A_25 = vector.multi_reduction <maximumf>, %max3A_23, %reduce_max3A [0] : vector<1000x128xf32> to vector<128xf32>
    %broadcast_in_dim3A_26 = vector.shape_cast %reduce_max3A_25 : vector<128xf32> to vector<1x128xf32>
    %eq3A = arith.constant 0 : i32
    %eq3A_27 = arith.cmpi eq, %arg0, %eq3A : i32
    %convert_element_type3A = arith.extui %eq3A_27 : i1 to i32
    %cond3A = arith.constant 0 : i32
    %cond3A_28 = arith.cmpi ne, %convert_element_type3A, %cond3A : i32
    scf.if %cond3A_28 {
      %swap3A = arith.constant 0 : index
      %swap3A_38 = arith.constant 0 : index
      %swap3A_39 = vector.load %arg8[%swap3A, %swap3A_38] : memref<1x128xf32, #tpu.memory_space<vmem>>, vector<1x128xf32>
      tpu.vector_store %arg8[%swap3A, %swap3A_38], %broadcast_in_dim3A {strides = array<i32>} : memref<1x128xf32, #tpu.memory_space<vmem>>, vector<1x128xf32>,
      %swap3A_40 = arith.constant 0 : index
      %swap3A_41 = arith.constant 0 : index
      %swap3A_42 = vector.load %arg9[%swap3A_40, %swap3A_41] : memref<1x128xf32, #tpu.memory_space<vmem>>, vector<1x128xf32>
      tpu.vector_store %arg9[%swap3A_40, %swap3A_41], %broadcast_in_dim3A_26 {strides = array<i32>} : memref<1x128xf32, #tpu.memory_space<vmem>>, vector<1x128xf32>,
    } else {
    }
    %gt3A = arith.constant 0 : i32
    %gt3A_29 = arith.cmpi sgt, %arg0, %gt3A : i32
    %convert_element_type3A_30 = arith.extui %gt3A_29 : i1 to i32
    %cond3A_31 = arith.constant 0 : i32
    %cond3A_32 = arith.cmpi ne, %convert_element_type3A_30, %cond3A_31 : i32
    scf.if %cond3A_32 {
      %get3A_38 = arith.constant 0 : index
      %get3A_39 = arith.constant 0 : index
      %get3A_40 = vector.load %arg8[%get3A_38, %get3A_39] : memref<1x128xf32, #tpu.memory_space<vmem>>, vector<1x128xf32>
      %add3A_41 = arith.addf %get3A_40, %broadcast_in_dim3A : vector<1x128xf32>
      %swap3A = arith.constant 0 : index
      %swap3A_42 = arith.constant 0 : index
      %swap3A_43 = vector.load %arg8[%swap3A, %swap3A_42] : memref<1x128xf32, #tpu.memory_space<vmem>>, vector<1x128xf32>
      tpu.vector_store %arg8[%swap3A, %swap3A_42], %add3A_41 {strides = array<i32>} : memref<1x128xf32, #tpu.memory_space<vmem>>, vector<1x128xf32>,
      %get3A_44 = arith.constant 0 : index
      %get3A_45 = arith.constant 0 : index
      %get3A_46 = vector.load %arg9[%get3A_44, %get3A_45] : memref<1x128xf32, #tpu.memory_space<vmem>>, vector<1x128xf32>
      %max3A_47 = arith.maximumf %get3A_46, %broadcast_in_dim3A_26 : vector<1x128xf32>
      %swap3A_48 = arith.constant 0 : index
      %swap3A_49 = arith.constant 0 : index
      %swap3A_50 = vector.load %arg9[%swap3A_48, %swap3A_49] : memref<1x128xf32, #tpu.memory_space<vmem>>, vector<1x128xf32>
      tpu.vector_store %arg9[%swap3A_48, %swap3A_49], %max3A_47 {strides = array<i32>} : memref<1x128xf32, #tpu.memory_space<vmem>>, vector<1x128xf32>,
    } else {
    }
    %eq3A_33 = arith.constant 9 : i32
    %eq3A_34 = arith.cmpi eq, %arg0, %eq3A_33 : i32
    %convert_element_type3A_35 = arith.extui %eq3A_34 : i1 to i32
    %cond3A_36 = arith.constant 0 : i32
    %cond3A_37 = arith.cmpi ne, %convert_element_type3A_35, %cond3A_36 : i32
    scf.if %cond3A_37 {
      %get3A_38 = arith.constant 0 : index
      %get3A_39 = arith.constant 0 : index
      %get3A_40 = vector.load %arg8[%get3A_38, %get3A_39] : memref<1x128xf32, #tpu.memory_space<vmem>>, vector<1x128xf32>
      %get3A_41 = arith.constant 0 : index
      %get3A_42 = arith.constant 0 : index
      %get3A_43 = vector.load %arg9[%get3A_41, %get3A_42] : memref<1x128xf32, #tpu.memory_space<vmem>>, vector<1x128xf32>
      %mul3A_44 = arith.constant 9.99999974E-5 : f32
      %mul3A_45 = vector.broadcast %mul3A_44 : f32 to vector<1x128xf32>
      %mul3A_46 = arith.mulf %get3A_40, %mul3A_45 : vector<1x128xf32>
      %get3A_47 = arith.constant 0 : index
      %get3A_48 = arith.constant 0 : index
      %get3A_49 = vector.load %arg5[%get3A_47, %get3A_48] : memref<384x16xf32, #tpu.memory_space<vmem>>, vector<128x16xf32>
      %dot_general3A = arith.constant dense<0.000000e+00> : vector<1x16xf32>
      %dot_general3A_50 = tpu.matmul %mul3A_46, %get3A_49, %dot_general3A {dimension_numbers = #tpu.dot_dimension_numbers<[1], [0], [0], [1], [0, 0, 1, 1], [], []>, transpose_lhs_hint = false} : vector<1x128xf32>, vector<128x16xf32>, vector<1x16xf32> -> vector<1x16xf32>
      %get3A_51 = arith.constant 128 : index
      %get3A_52 = arith.constant 0 : index
      %get3A_53 = vector.load %arg5[%get3A_51, %get3A_52] : memref<384x16xf32, #tpu.memory_space<vmem>>, vector<128x16xf32>
      %dot_general3A_54 = arith.constant dense<0.000000e+00> : vector<1x16xf32>
      %dot_general3A_55 = tpu.matmul %get3A_43, %get3A_53, %dot_general3A_54 {dimension_numbers = #tpu.dot_dimension_numbers<[1], [0], [0], [1], [0, 0, 1, 1], [], []>, transpose_lhs_hint = false} : vector<1x128xf32>, vector<128x16xf32>, vector<1x16xf32> -> vector<1x16xf32>
      %add3A_56 = arith.addf %dot_general3A_50, %dot_general3A_55 : vector<1x16xf32>
      %get3A_57 = arith.constant 256 : index
      %get3A_58 = arith.constant 0 : index
      %get3A_59 = vector.load %arg5[%get3A_57, %get3A_58] : memref<384x16xf32, #tpu.memory_space<vmem>>, vector<128x16xf32>
      %dot_general3A_60 = arith.constant dense<0.000000e+00> : vector<1x16xf32>
      %dot_general3A_61 = tpu.matmul %get3A_40, %get3A_59, %dot_general3A_60 {dimension_numbers = #tpu.dot_dimension_numbers<[1], [0], [0], [1], [0, 0, 1, 1], [], []>, transpose_lhs_hint = false} : vector<1x128xf32>, vector<128x16xf32>, vector<1x16xf32> -> vector<1x16xf32>
      %add3A_62 = arith.addf %add3A_56, %dot_general3A_61 : vector<1x16xf32>
      %get3A_63 = arith.constant 0 : index
      %get3A_64 = arith.constant 0 : index
      %get3A_65 = vector.load %arg6[%get3A_63, %get3A_64] : memref<1x16xf32, #tpu.memory_space<vmem>>, vector<1x16xf32>
      %add3A_66 = arith.addf %add3A_62, %get3A_65 : vector<1x16xf32>
      %swap3A = arith.constant 0 : index
      %swap3A_67 = arith.constant 0 : index
      %swap3A_68 = vector.load %arg7[%swap3A, %swap3A_67] : memref<1x16xf32, #tpu.memory_space<vmem>>, vector<1x16xf32>
      tpu.vector_store %arg7[%swap3A, %swap3A_67], %add3A_66 {strides = array<i32>} : memref<1x16xf32, #tpu.memory_space<vmem>>, vector<1x16xf32>,
    } else {
    }
    return
  }
  func.func @transform_0(%arg0: i32) -> (i32, i32, i32) {
    %c0_i32 = arith.constant 0 : i32
    %c0_i32_0 = arith.constant 0 : i32
    %c0_i32_1 = arith.constant 0 : i32
    return %c0_i32, %arg0, %c0_i32_0 : i32, i32, i32
  }
  func.func @transform_1(%arg0: i32) -> (i32, i32) {
    %c0_i32 = arith.constant 0 : i32
    %c0_i32_0 = arith.constant 0 : i32
    return %arg0, %c0_i32 : i32, i32
  }
  func.func @transform_2(%arg0: i32) -> (i32, i32) {
    %c0_i32 = arith.constant 0 : i32
    %c0_i32_0 = arith.constant 0 : i32
    return %arg0, %c0_i32 : i32, i32
  }
  func.func @transform_3(%arg0: i32) -> (i32, i32) {
    %c0_i32 = arith.constant 0 : i32
    %c0_i32_0 = arith.constant 0 : i32
    %c0_i32_1 = arith.constant 0 : i32
    return %c0_i32, %c0_i32_0 : i32, i32
  }
  func.func @transform_4(%arg0: i32) -> (i32, i32) {
    %c0_i32 = arith.constant 0 : i32
    %c0_i32_0 = arith.constant 0 : i32
    %c0_i32_1 = arith.constant 0 : i32
    return %c0_i32, %c0_i32_0 : i32, i32
  }
  func.func @transform_5(%arg0: i32) -> (i32, i32) {
    %c0_i32 = arith.constant 0 : i32
    %c0_i32_0 = arith.constant 0 : i32
    %c0_i32_1 = arith.constant 0 : i32
    return %c0_i32, %c0_i32_0 : i32, i32
  }
  func.func @transform_6(%arg0: i32) -> (i32, i32) {
    %c0_i32 = arith.constant 0 : i32
    %c0_i32_0 = arith.constant 0 : i32
    %c0_i32_1 = arith.constant 0 : i32
    return %c0_i32, %c0_i32_0 : i32, i32
  }
}

</mosaic_0001>

<sc_bundles>
// kernel: kernel.12.cloned.1.call-start
scs
__scs_entry_jumppad:
0x0: {  	(pc) =	sbr.rel $0x88, $3  }
0x1: {  	(tag) =	ssettag $0x0;
	lr =	simm.s32 $0x1  }
0x2: {  	[smem:$0x3F99] =	sst lr;
	_ =	strace $0xD0000000  }
0x3: {  	_ = 	snop  }
0x4: {  	_ = 	snop  }
0x5: {  	_ = 	snop  }
0x6: {  	_ = 	snop  }
0x7: {  	_ = 	snop  }
__scs_overlays_trampoline_lowered:
0x8: {  	[smem:$0x3FA8] =	sst s0  }
0x9: {  	[smem:$0x3FA9] =	sst s1  }
0xa: {  	[smem:$0x3FAA] =	sst s2  }
0xb: {  	[smem:$0x3FAB] =	sst s3  }
0xc: {  	[smem:$0x3FAC] =	sst s4  }
0xd: {  	[smem:$0x3FAD] =	sst s5  }
0xe: {  	[smem:$0x3FAE] =	sst s6  }
0xf: {  	[smem:$0x3FAF] =	sst s7  }
0x10: {  	[smem:$0x3FB0] =	sst s8  }
0x11: {  	[smem:$0x3FB1] =	sst s9;
	s0 =	simm.s32 @!p0 $0x0  }
0x12: {  	s1 =	sld [smem:$0x3F97];
	s0 =	simm.s32 @p0 $0x1  }
0x13: {  	[smem:$0x3FB2] =	sst s0;
	s0 =	simm.s32 @!p1 $0x0  }
0x14: {  	s2 =	sld [smem:$0x3F96];
	s0 =	simm.s32 @p1 $0x1  }
0x15: {  	[smem:$0x3FB3] =	sst s0;
	s0 =	simm.s32 @!p2 $0x0  }
0x16: {  	s3 =	sld [smem:$0x3FDB];
	s0 =	simm.s32 @p2 $0x1  }
0x17: {  	s4 =	simm.s32 $0x1BF5;
	[smem:$0x3FB5] =	sst s0  }
0x18: {  	s0 =	sld [smem:$0x3F98];
	_ =	swait.ge [sflag:s4], $0x0  }
0x19: {  	s7 =	sld [smem:$0x3F99]  }
0x1a: {  	s8 =	sadd.s32 $0xFFFFE003, lr  }
0x1b: {  	s9 =	sadd.s32 $0xFFFFFEF7, lr;
	s5 =	simm.s32 $0xFFFFFFFF;
	p2 =	slt.u32 s8, $0xFFFFF086  }
0x1c: {  	p1 =	slt.u32 s9, $0xF7A;
	s5 =	simm.s32 @!p2 $0x0  }
0x1d: {  	s5 =	simm.s32 @p1 $0x1;
	p0 =	seq.s32 s7, s2  }
0x1e: {  	s7 =	smul.u32 @!p0 $0xF7A, s2;
	p2 =	seq.s32 @!p0 s5, $0x0  }
0x1f: {  	s9 =	smul.u32 $0xF7A, s1;
	s8 =	simm.s32 @!p0 $0x1BF5;
	p2 =	por !p2, p0  }
0x20: {  	[sflag:s8] =	ssyncset.s32 @!p0 $0xFFFFF086;
	s6 =	sadd.s32 @!p0 s3, s7;
	s7 =	simm.s32 @!p0 $0x108  }
0x21: {  	s3 =	sadd.s32 s3, s9;
	s6 =	sadd.s32 @!p0 $0x88, s6;
	s7 =	simm.s32 @p2 $0x1082  }
0x22: {  	[simem:s7], [sflag:s8] =	dma.local @!p0 [hbm:s6], $0xF7A  }
0x23: {  	s9 =	sor.u32 $0xD0000000, s2;
	s6 =	simm.s32 $0x108;
	_ =	swait.ge @!p0 [sflag:s8], $0x0  }
0x24: {  	s3 =	sadd.s32 $0x88, s3;
	s6 =	simm.s32 @!p1 $0x1082;
	[sflag:s4] =	ssyncset.s32 $0xFFFFF086  }
0x25: {  	[simem:s6], [sflag:s4] =	dma.local [hbm:s3], $0xF7A  }
0x26: {  	[smem:$0x3F99] =	sst s1;
	(tag) =	ssettag s2;
	_ =	strace s9  }
0x27: {  	s1 =	sld [smem:$0x3FA9]  }
0x28: {  	s2 =	sld [smem:$0x3FAA]  }
0x29: {  	s4 =	sld [smem:$0x3FAC]  }
0x2a: {  	p0 =	seq.s32 s5, $0x0;
	s5 =	sld [smem:$0x3FAD]  }
0x2b: {  	s6 =	sld [smem:$0x3FAE]  }
0x2c: {  	s7 =	sld [smem:$0x3FAF]  }
0x2d: {  	s3 =	simm.s32 $0x108;
	s8 =	sld [smem:$0x3FB0]  }
0x2e: {  	s3 =	simm.s32 @!p0 $0x1082;
	s9 =	sld [smem:$0x3FB1]  }
0x2f: {  	lr =	sadd.s32 s0, s3;
	s0 =	sld [smem:$0x3FA8]  }
0x30: {  	s3 =	sld [smem:$0x3FAB]  }
0x31: {  	[smem:$0x3FB4] =	sst s10  }
0x32: {  	s10 =	sld [smem:$0x3FB2];
	_ =	sdelay $0x3  }
0x33: {  	p0 =	seq.s32 s10, $0x1;
	s10 =	sld [smem:$0x3FB4];
	_ =	sdelay $0x3  }
0x34: {  	[smem:$0x3FB4] =	sst s10  }
0x35: {  	s10 =	sld [smem:$0x3FB3];
	_ =	sdelay $0x3  }
0x36: {  	p1 =	seq.s32 s10, $0x1;
	s10 =	sld [smem:$0x3FB4];
	_ =	sdelay $0x3  }
0x37: {  	[smem:$0x3FB4] =	sst s10  }
0x38: {  	s10 =	sld [smem:$0x3FB5]  }
0x39: {  	_ = 	snop;
	(pc) =	sbr.ind lr, $3  }
0x3a: {  	_ = 	snop  }
0x3b: {  	_ = 	snop  }
0x3c: {  	p2 =	seq.s32 s10, $0x1;
	s10 =	sld [smem:$0x3FB4]  }
0x3d: {  	_ =	shalt  }
0x3e: {  	_ =	shalt  }
0x3f: {  	_ =	shalt  }
0x40: {  	_ =	shalt  }
0x41: {  	_ =	shalt  }
0x42: {  	_ =	shalt  }
0x43: {  	_ =	shalt  }
0x44: {  	_ =	shalt  }
0x45: {  	_ =	shalt  }
0x46: {  	_ =	shalt  }
0x47: {  	_ =	shalt  }
0x48: {  	_ =	shalt  }
0x49: {  	_ =	shalt  }
0x4a: {  	_ =	shalt  }
0x4b: {  	_ =	shalt  }
0x4c: {  	_ =	shalt  }
0x4d: {  	_ =	shalt  }
0x4e: {  	_ =	shalt  }
0x4f: {  	_ =	shalt  }
0x50: {  	_ =	shalt  }
0x51: {  	_ =	shalt  }
0x52: {  	_ =	shalt  }
0x53: {  	_ =	shalt  }
0x54: {  	_ =	shalt  }
0x55: {  	_ =	shalt  }
0x56: {  	_ =	shalt  }
0x57: {  	_ =	shalt  }
0x58: {  	_ =	shalt  }
0x59: {  	_ =	shalt  }
0x5a: {  	_ =	shalt  }
0x5b: {  	_ =	shalt  }
0x5c: {  	_ =	shalt  }
0x5d: {  	_ =	shalt  }
0x5e: {  	_ =	shalt  }
0x5f: {  	_ =	shalt  }
0x60: {  	_ =	shalt  }
0x61: {  	_ =	shalt  }
0x62: {  	_ =	shalt  }
0x63: {  	_ =	shalt  }
0x64: {  	_ =	shalt  }
0x65: {  	_ =	shalt  }
0x66: {  	_ =	shalt  }
0x67: {  	_ =	shalt  }
0x68: {  	_ =	shalt  }
0x69: {  	_ =	shalt  }
0x6a: {  	_ =	shalt  }
0x6b: {  	_ =	shalt  }
0x6c: {  	_ =	shalt  }
0x6d: {  	_ =	shalt  }
0x6e: {  	_ =	shalt  }
0x6f: {  	_ =	shalt  }
0x70: {  	_ =	shalt  }
0x71: {  	_ =	shalt  }
0x72: {  	_ =	shalt  }
0x73: {  	_ =	shalt  }
0x74: {  	_ =	shalt  }
0x75: {  	_ =	shalt  }
0x76: {  	_ =	shalt  }
0x77: {  	_ =	shalt  }
0x78: {  	_ =	shalt  }
0x79: {  	_ =	shalt  }
0x7a: {  	_ =	shalt  }
0x7b: {  	_ =	shalt  }
0x7c: {  	_ =	shalt  }
0x7d: {  	_ =	shalt  }
0x7e: {  	_ =	shalt  }
0x7f: {  	_ =	shalt  }
0x80: {  	_ =	shalt  }
0x81: {  	_ =	shalt  }
0x82: {  	_ =	shalt  }
0x83: {  	_ =	shalt  }
0x84: {  	_ =	shalt  }
0x85: {  	_ =	shalt  }
0x86: {  	_ =	shalt  }
0x87: {  	_ =	shalt  }
.Lfunc_end0:
.L_simem_size_0:
called_computation.1_lowered:
.L_overlay_start_0:
0x88: {  	s2 =	sld [smem:$0x3FD9]  }
0x89: {  	s3 =	sld [smem:$0x3FFE];
	_ =	sdelay $0x1  }
0x8a: {  	s1 =	srdreg.scid  }
0x8b: {  	s0 =	sand.u32 $0x1, s1  }
0x8c: {  	s16 =	sshll.u32 s0, $0xA;
	s2 =	sadd.s32 s3, s2  }
0x8d: {  	s2 =	sadd.s32 s2, s16  }
0x8e: {  	[smem:$0x3FC0] =	sst s2  }
0x8f: {  	_ = 	snop  }
0x90: {  	(tm) =	ssettm $0x1  }
0x91: {  	s17 =	sld [smem:$0x3FFB];
	_ =	sdelay $0x3  }
0x92: {  	_ =	strace s17  }
0x93: {  	s2 =	sld [smem:$0x3FFC];
	_ =	sdelay $0x3  }
0x94: {  	_ =	strace s2  }
0x95: {  	s2 =	sld [smem:$0x3FFD];
	_ =	sdelay $0x3  }
0x96: {  	_ =	strace s2  }
0x97: {  	_ =	strace $0x8FFFFFFF  }
0x98: {  	s18 =	sld [smem:$0x3FDB];
	_ =	sdelay $0x1  }
0x99: {  	s19 =	simm.s32 $_scs_section_size  }
0x9a: {  	s4 =	simm.s32 $_size__tile_overlayer_lowered;
	s5 =	simm.s32 $_tile_overlayer_lowered  }
0x9b: {  	s22 =	simm.s32 $0x1BFF;
	s21 =	sshll.u32 s5, $0x1;
	s2 =	sadd.s32 s19, s18  }
0x9c: {  	s6 =	simm.s32 $0x0;
	s20 =	sshll.u32 s4, $0x1;
	s4 =	sadd.s32 s21, s2  }
0x9d: {  	[timem:s6], [sflag:s22] =	dma.local [hbm:s4], s20  }
0x9e: {  	_ =	swait.ge [sflag:s22], s20  }
0x9f: {  	s3 =	ssub.s32 $0x0, s20;
	[sflag:s22] =	ssyncset.done $0x0  }
0xa0: {  	[sflag:s22] =	ssyncadd.s32 s3;
	_ =	sdelay $0x1  }
0xa1: {  	s23 =	simm.s32 $0x1B8B  }
0xa2: {  	_ =	swait.ge [sflag:s23], $0x1  }
0xa3: {  	[sflag:s23] =	ssyncset.done $0x0  }
0xa4: {  	s25 =	simm.s32 $0x1B8E;
	s24 =	sld [smem:$0x3FFE];
	[sflag:s23] =	ssyncadd.s32 $0xFFFFFFFF  }
0xa5: {  	s26 =	simm.s32 $execute0_lowered;
	[smem:$0x3FD2] =	sst s25  }
0xa6: {  	s4 =	sshll.u32 s26, $0x1;
	_ =	strace $0x80000049;
	[dreg:$0x1] =	wrdreg $0xFFFFFFFF  }
0xa7: {  	s28 =	simm.s32 $_size_execute0_lowered;
	s2 =	sadd.s32 s2, s4;
	[dreg:$0x0] =	wrdreg $0x0  }
0xa8: {  	s4 =	sshll.u32 s28, $0x1;
	[dreg:$0x2] =	wrdreg s2  }
0xa9: {  	[dreg:$0x3] =	wrdreg s4  }
0xaa: {  	[dreg:$0x4] =	wrdreg $0xC0  }
0xab: {  	_ =	task [dreg:s6], $0x5FFFF  }
0xac: {  	[dreg:$0x1] =	wrdreg $0xFFFFFFFF  }
0xad: {  	[dreg:$0x0] =	wrdreg $0x60  }
0xae: {  	[dreg:$0x2] =	wrdreg s24  }
0xaf: {  	[dreg:$0x3] =	wrdreg $0x41000  }
0xb0: {  	[dreg:$0x4] =	wrdreg $0x9  }
0xb1: {  	_ =	task.clear_ibuf [dreg:s6], $0x5FFFF;
	_ =	strace $0x90000049  }
0xb2: {  	s29 =	simm.s32 $0x9;
	_ =	strace $0x8000004B  }
0xb3: {  	_ =	swait.ge [sflag:s29], $0x1  }
0xb4: {  	[sflag:s29] =	ssyncadd.s32 $0xFFFFFFFF  }
0xb5: {  	_ =	strace $0x9000004B  }
0xb6: {  	_ =	sfence  }
0xb7: {  	s30 =	sld [smem:$0x0];
	_ =	sdelay $0x2  }
0xb8: {  	s31 =	sshll.u32 s1, $0xD;
	s1 =	sshrl.u32 s1, $0x2  }
0xb9: {  	s3 =	sand.u32 $0x4000, s31;
	s1 =	sadd.s32 s1, s30  }
0xba: {  	s0 =	sor.u32 s3, s0;
	s1 =	sshll.u32 s1, $0x11  }
0xbb: {  	s0 =	sor.u32 s1, s0  }
0xbc: {  	s0 =	sadd.s32 $0x8F2B, s0  }
0xbd: {  	[sflag:s0] =	ssyncadd.remote.s32 $0x1  }
0xbe: {  	_ =	sfence.sel $0xFFFF  }
0xbf: {  	[dreg:$0x0] =	wrdreg $0xFFFFFFFF;
	(pc) =	sbr.abs _section_cstart, $3  }
0xc0: {  	[dreg:$0x1] =	wrdreg $0xFFFFFFFF  }
0xc1: {  	_ =	task.clear_ibuf [dreg:s6], $0x2FFFF;
	_ =	strace $0x9FFFFFFF  }
0xc2: {  	(tm) =	ssettm $0x7FFFFFFF  }
0xc3: {  	_ =	shalt  }
tec
execute0_lowered:
.L_overlay_start_1:
0x0: {  	(tag) =	ssettag $0x1  }
0x1: {  	s6 =	rddreg [dreg:$0x0]  }
0x2: {  	s2 =	rddreg [dreg:$0x1];
	s0 =	stileid.u32  }
0x3: {  	s3 =	srdreg.scid;
	s4 =	smul.u32 $0x28, s0  }
0x4: {  	s1 =	rddreg [dreg:$0x2];
	s5 =	smul.u32 $0x76, s0  }
0x5: {  	s22 =	simm.s32 $0x80;
	s23 =	simm.s32 $0x1;
	s11 =	smul.u32 $0x280, s0  }
0x6: {  	s8 =	sand.u32 $0x1, s3;
	s3 =	simm.s32 $0x0;
	s10 =	smul.u32 $0x50000, s0  }
0x7: {  	s16 =	sadd.s32 $0x47E00, s6;
	p0 =	seq.s32 s8, $0x0;
	[smem:$0x7FF] =	sst s3  }
0x8: {  	s24 =	ssub.s32 $0x2, s8;
	s20 =	smul.u32 $0x2800, s8;
	s7 =	sadd.s32 $0x760, s4  }
0x9: {  	_ =	strace $0x8000004A;
	s4 =	sadd.s32 $0x20C00, s6;
	s9 =	sshrl.u32 s24, $0x1  }
0xa: {  	s12 =	sadd.s32 $0x80, s11;
	s25 =	sshrl.u32 s10, $0x2;
	s14 =	sadd.s32 $0x100, s11  }
0xb: {  	s15 =	sadd.s32 $0x180, s11;
	s18 =	sadd.s32 $0x200, s11;
	s7 =	smov.u32 @p0 s5  }
0xc: {  	s17 =	ssub.s32 s24, s9;
	s26 =	sshll.u32 s12, $0x7;
	s28 =	sshll.u32 s14, $0x7  }
0xd: {  	s29 =	sshll.u32 s15, $0x7;
	s30 =	sshll.u32 s18, $0x7;
	s13 =	sadd.s32 s11, s20  }
0xe: {  	s11 =	simm.s32 $0x76;
	s21 =	sadd.s32 s20, s12;
	s14 =	sadd.s32 s20, s14  }
0xf: {  	s15 =	sadd.s32 s20, s15;
	s18 =	sadd.s32 s20, s18;
	s20 =	simm.s32 $0x100  }
0x10: {  	s24 =	simm.s32 $0x0;
	s5 =	sshll.u32 s7, $0x4;
	s7 =	sadd.s32 s26, s2  }
0x11: {  	s8 =	sadd.s32 s28, s2;
	s9 =	sadd.s32 s29, s2;
	s10 =	sadd.s32 s30, s2  }
0x12: {  	s13 =	sshll.u32 s13, $0x4;
	s11 =	simm.s32 @!p0 $0x28;
	s31 =	sshll.u32 s21, $0x4  }
0x13: {  	s14 =	sshll.u32 s14, $0x4;
	s15 =	sshll.u32 s15, $0x4;
	s18 =	sshll.u32 s18, $0x4  }
0x14: {  	s17 =	smax.u32 s17, $0x1;
	s21 =	simm.s32 $0x2;
	s19 =	sadd.s32 s5, s6  }
0x15: {  	s5 =	sadd.s32 $0xC800, s6;
	s6 =	sadd.s32 s25, s2;
	s12 =	sadd.s32 s16, s13  }
0x16: {  	s13 =	sadd.s32 s16, s31;
	s14 =	sadd.s32 s16, s14;
	s15 =	sadd.s32 s16, s15  }
0x17: {  	s16 =	sadd.s32 s16, s18;
	s18 =	sadd.s32 $0x2A00, s19;
	s19 =	sadd.s32 $0x16E00, s19  }
.LBB2_1:
0x18: {  	[tilespmem:s20], [sflag:$0x2] =	stream.linear.gather [hbm4b:s5+s3], $0x4000, $0x38;
	[tilespmem:$0x18100] =	vst v63  }
0x19: {  	_ =	swait.ge [sflag:s21], $0x4000  }
0x1a: {  	[sflag:s21] =	ssyncset.done $0x0  }
0x1b: {  	[sflag:s21] =	ssyncadd.s32 $0xFFFFC000  }
0x1c: {  	[spmem:s6] =	stream.linear.scatter [tilespmem:s20], [sflag:$0x2], $0x4000, $0x38;
	[tilespmem:$0x18100] =	vst v63  }
0x1d: {  	_ =	swait.ge [sflag:s21], $0x4000  }
0x1e: {  	[sflag:s21] =	ssyncset.done $0x0  }
0x1f: {  	[sflag:s21] =	ssyncadd.s32 $0xFFFFC000  }
0x20: {  	[spmem:s7] =	stream.linear.scatter [tilespmem:s20], [sflag:$0x2], $0x4000, $0x38;
	[tilespmem:$0x18100] =	vst v63  }
0x21: {  	_ =	swait.ge [sflag:s21], $0x4000  }
0x22: {  	[sflag:s21] =	ssyncset.done $0x0  }
0x23: {  	[sflag:s21] =	ssyncadd.s32 $0xFFFFC000  }
0x24: {  	[spmem:s8] =	stream.linear.scatter [tilespmem:s20], [sflag:$0x2], $0x4000, $0x38;
	[tilespmem:$0x18100] =	vst v63  }
0x25: {  	_ =	swait.ge [sflag:s21], $0x4000  }
0x26: {  	[sflag:s21] =	ssyncset.done $0x0  }
0x27: {  	[sflag:s21] =	ssyncadd.s32 $0xFFFFC000  }
0x28: {  	[spmem:s9] =	stream.linear.scatter [tilespmem:s20], [sflag:$0x2], $0x4000, $0x38;
	[tilespmem:$0x18100] =	vst v63  }
0x29: {  	_ =	swait.ge [sflag:s21], $0x4000  }
0x2a: {  	[sflag:s21] =	ssyncset.done $0x0  }
0x2b: {  	[sflag:s21] =	ssyncadd.s32 $0xFFFFC000  }
0x2c: {  	[spmem:s10] =	stream.linear.scatter [tilespmem:s20], [sflag:$0x2], $0x4000, $0x38;
	[tilespmem:$0x18100] =	vst v63  }
0x2d: {  	_ =	swait.ge [sflag:s21], $0x4000  }
0x2e: {  	[sflag:s21] =	ssyncset.done $0x0  }
0x2f: {  	[sflag:s21] =	ssyncadd.s32 $0xFFFFC000  }
0x30: {  	[bflag:$0x0] =	sbarrier.arrive $0xFFFF  }
0x31: {  	[tilespmem:s3], [sflag:$0x2] =	stream.linear.gather [hbm4b:s19+s3], $0x80, $0x38;
	[tilespmem:$0x18100] =	vst v63  }
0x32: {  	_ =	swait.ge [sflag:s21], $0x80  }
0x33: {  	[sflag:s21] =	ssyncset.done $0x0  }
0x34: {  	[sflag:s21] =	ssyncadd.s32 $0xFFFFFF80  }
0x35: {  	[tilespmem:s22], [sflag:$0x2] =	stream.linear.gather [hbm4b:s18+s3], $0x80, $0x38;
	[tilespmem:$0x18100] =	vst v63  }
0x36: {  	_ =	swait.ge [sflag:s21], $0x80  }
0x37: {  	[sflag:s21] =	ssyncset.done $0x0  }
0x38: {  	[sflag:s21] =	ssyncadd.s32 $0xFFFFFF80  }
0x39: {  	[tilespmem:s20], [sflag:$0x1] =	stream.indirect.gather [hbm4b:s4+s22], $0x80, s3, s22, $0xb8;
	[tilespmem:$0x18100] =	vst v63  }
0x3a: {  	p0 =	sne.s32 s11, $0x1;
	_ =	swait.ge [sflag:s23], $0x4000  }
.Ltmp0:
0x3b: {  	[sflag:s23] =	ssyncset.done $0x0;
	(pc) =	sbr.rel @!p0 .LBB2_3-.Ltmp0, $4  }
0x3c: {  	[sflag:s23] =	ssyncadd.s32 $0xFFFFC000  }
0x3d: {  	[spmem:s2] =	stream.indirect.scatter.add.f32 [tilespmem:s20], [sflag:$0x2], $0x80, s22, s22, $0xb8;
	[tilespmem:$0x18100] =	vst v63  }
0x3e: {  	s25 =	sadd.s32 $0xFFFFFFFF, s11;
	_ =	swait.ge [sflag:s21], $0x4000  }
0x3f: {  	s26 =	smov.u32 s18;
	s28 =	smov.u32 s19;
	[sflag:s21] =	ssyncset.done $0x0  }
.LBB2_2:
0x40: {  	[sflag:s21] =	ssyncadd.s32 $0xFFFFC000;
	s26 =	sadd.s32 $0x10, s26;
	s28 =	sadd.s32 $0x10, s28  }
0x41: {  	[tilespmem:s3], [sflag:$0x2] =	stream.linear.gather [hbm4b:s28+s3], $0x80, $0x38;
	[tilespmem:$0x18100] =	vst v63  }
0x42: {  	p0 =	sne.s32 s25, $0x1;
	s25 =	sadd.s32 $0xFFFFFFFF, s25;
	_ =	swait.ge [sflag:s21], $0x80  }
0x43: {  	[sflag:s21] =	ssyncset.done $0x0  }
0x44: {  	[sflag:s21] =	ssyncadd.s32 $0xFFFFFF80  }
0x45: {  	[tilespmem:s22], [sflag:$0x2] =	stream.linear.gather [hbm4b:s26+s3], $0x80, $0x38;
	[tilespmem:$0x18100] =	vst v63  }
0x46: {  	_ =	swait.ge [sflag:s21], $0x80  }
0x47: {  	[sflag:s21] =	ssyncset.done $0x0  }
0x48: {  	[sflag:s21] =	ssyncadd.s32 $0xFFFFFF80  }
0x49: {  	[tilespmem:s20], [sflag:$0x1] =	stream.indirect.gather [hbm4b:s4+s22], $0x80, s3, s22, $0xb8;
	[tilespmem:$0x18100] =	vst v63  }
0x4a: {  	_ =	swait.ge [sflag:s23], $0x4000  }
.Ltmp1:
0x4b: {  	[sflag:s23] =	ssyncset.done $0x0;
	(pc) =	sbr.rel @p0 .LBB2_2-.Ltmp1, $4  }
0x4c: {  	[sflag:s23] =	ssyncadd.s32 $0xFFFFC000  }
0x4d: {  	[spmem:s2] =	stream.indirect.scatter.add.f32 [tilespmem:s20], [sflag:$0x2], $0x80, s22, s22, $0xb8;
	[tilespmem:$0x18100] =	vst v63  }
0x4e: {  	_ =	swait.ge [sflag:s21], $0x4000  }
0x4f: {  	[sflag:s21] =	ssyncset.done $0x0  }
.LBB2_3:
0x50: {  	[sflag:s21] =	ssyncadd.s32 $0xFFFFC000;
	s25 =	sshll.u32 s0, $0x6  }
0x51: {  	s26 =	sshrl.u32 s6, $0x3;
	[bflag:$0x0] =	sbarrier.arrive $0xFFFF;
	s25 =	sor.u32 $0x1C02, s25  }
0x52: {  	[hbm:s12], [sflag:s25] =	dma.local [spmem:s26], $0x800  }
0x53: {  	_ =	swait.ge [sflag:s21], $0x800  }
0x54: {  	[sflag:s21] =	ssyncset.done $0x0  }
0x55: {  	s28 =	sshrl.u32 s7, $0x3;
	[sflag:s21] =	ssyncadd.s32 $0xFFFFF800  }
0x56: {  	[hbm:s13], [sflag:s25] =	dma.local [spmem:s28], $0x800  }
0x57: {  	_ =	swait.ge [sflag:s21], $0x800  }
0x58: {  	[sflag:s21] =	ssyncset.done $0x0  }
0x59: {  	s29 =	sshrl.u32 s8, $0x3;
	[sflag:s21] =	ssyncadd.s32 $0xFFFFF800  }
0x5a: {  	[hbm:s14], [sflag:s25] =	dma.local [spmem:s29], $0x800  }
0x5b: {  	_ =	swait.ge [sflag:s21], $0x800  }
0x5c: {  	[sflag:s21] =	ssyncset.done $0x0  }
0x5d: {  	s30 =	sshrl.u32 s9, $0x3;
	[sflag:s21] =	ssyncadd.s32 $0xFFFFF800  }
0x5e: {  	[hbm:s15], [sflag:s25] =	dma.local [spmem:s30], $0x800  }
0x5f: {  	s24 =	sadd.s32 $0x1, s24;
	_ =	swait.ge [sflag:s21], $0x800  }
0x60: {  	p0 =	sne.s32 s24, s17;
	[sflag:s21] =	ssyncset.done $0x0  }
.Ltmp2:
0x61: {  	s31 =	sshrl.u32 s10, $0x3;
	[sflag:s21] =	ssyncadd.s32 $0xFFFFF800;
	(pc) =	sbr.rel @p0 .LBB2_1-.Ltmp2, $4  }
0x62: {  	[hbm:s16], [sflag:s25] =	dma.local [spmem:s31], $0x800  }
0x63: {  	_ =	swait.ge [sflag:s21], $0x800  }
0x64: {  	[sflag:s21] =	ssyncset.done $0x0  }
0x65: {  	[sflag:s21] =	ssyncadd.s32 $0xFFFFF800  }
0x66: {  	_ =	sfence.sel $0x180000  }
0x67: {  	[bflag:$0x0] =	sbarrier.arrive $0xFFFF  }
0x68: {  	p0 =	sne.s32 s0, $0x0;
	_ =	strace $0x9000004A  }
0x69: {  	s0 =	sadd.s32 @!p0 $0x100000, s1;
	[bflag:$0x2] =	sbarrier.arrive $0xFFFF  }
0x6a: {  	[sflag:s0] =	ssyncadd.tile.s32 @!p0 $0x1;
	_ =	shalt  }
.Lfunc_end2:
_tile_overlayer_lowered:
.L_overlay_start_2:
0x6b: {  	(tag) =	ssettag $0x2  }
0x6c: {  	s0 =	rddreg [dreg:$0x0];
	s2 =	stileid.u32  }
0x6d: {  	s1 =	rddreg [dreg:$0x1];
	p0 =	sne.s32 s2, $0x0  }
0x6e: {  	s3 =	rddreg [dreg:$0x2];
	[bflag:$0x3] =	sbarrier.arrive $0xFFFF;
	s2 =	simm.s32 @!p0 $0x1C02  }
0x6f: {  	[timem:s3], [sflag:s2] =	dma.local @!p0 [hbm:s0], s1  }
0x70: {  	s0 =	simm.s32 @!p0 $0x2  }
0x71: {  	_ =	swait.ge @!p0 [sflag:s0], s1  }
0x72: {  	s1 =	ssub.s32 @!p0 $0x0, s1;
	[sflag:s0] =	ssyncset.done @!p0 $0x0  }
0x73: {  	[sflag:s0] =	ssyncadd.s32 @!p0 s1  }
0x74: {  	[bflag:$0x3] =	sbarrier.arrive $0xFFFF  }
0x75: {  	_ =	shalt  }

// kernel: kernel.15.cloned.1.call-start
scs
__scs_entry_jumppad:
0x0: {  	(pc) =	sbr.rel $0x88, $3  }
0x1: {  	(tag) =	ssettag $0x0;
	lr =	simm.s32 $0x1  }
0x2: {  	[smem:$0x3F99] =	sst lr;
	_ =	strace $0xD0000000  }
0x3: {  	_ = 	snop  }
0x4: {  	_ = 	snop  }
0x5: {  	_ = 	snop  }
0x6: {  	_ = 	snop  }
0x7: {  	_ = 	snop  }
__scs_overlays_trampoline_lowered:
0x8: {  	[smem:$0x3FA8] =	sst s0  }
0x9: {  	[smem:$0x3FA9] =	sst s1  }
0xa: {  	[smem:$0x3FAA] =	sst s2  }
0xb: {  	[smem:$0x3FAB] =	sst s3  }
0xc: {  	[smem:$0x3FAC] =	sst s4  }
0xd: {  	[smem:$0x3FAD] =	sst s5  }
0xe: {  	[smem:$0x3FAE] =	sst s6  }
0xf: {  	[smem:$0x3FAF] =	sst s7  }
0x10: {  	[smem:$0x3FB0] =	sst s8  }
0x11: {  	[smem:$0x3FB1] =	sst s9;
	s0 =	simm.s32 @!p0 $0x0  }
0x12: {  	s1 =	sld [smem:$0x3F97];
	s0 =	simm.s32 @p0 $0x1  }
0x13: {  	[smem:$0x3FB2] =	sst s0;
	s0 =	simm.s32 @!p1 $0x0  }
0x14: {  	s2 =	sld [smem:$0x3F96];
	s0 =	simm.s32 @p1 $0x1  }
0x15: {  	[smem:$0x3FB3] =	sst s0;
	s0 =	simm.s32 @!p2 $0x0  }
0x16: {  	s3 =	sld [smem:$0x3FDB];
	s0 =	simm.s32 @p2 $0x1  }
0x17: {  	s4 =	simm.s32 $0x1BF5;
	[smem:$0x3FB5] =	sst s0  }
0x18: {  	s0 =	sld [smem:$0x3F98];
	_ =	swait.ge [sflag:s4], $0x0  }
0x19: {  	s7 =	sld [smem:$0x3F99]  }
0x1a: {  	s8 =	sadd.s32 $0xFFFFE003, lr  }
0x1b: {  	s9 =	sadd.s32 $0xFFFFFEF7, lr;
	s5 =	simm.s32 $0xFFFFFFFF;
	p2 =	slt.u32 s8, $0xFFFFF086  }
0x1c: {  	p1 =	slt.u32 s9, $0xF7A;
	s5 =	simm.s32 @!p2 $0x0  }
0x1d: {  	s5 =	simm.s32 @p1 $0x1;
	p0 =	seq.s32 s7, s2  }
0x1e: {  	s7 =	smul.u32 @!p0 $0xF7A, s2;
	p2 =	seq.s32 @!p0 s5, $0x0  }
0x1f: {  	s9 =	smul.u32 $0xF7A, s1;
	s8 =	simm.s32 @!p0 $0x1BF5;
	p2 =	por !p2, p0  }
0x20: {  	[sflag:s8] =	ssyncset.s32 @!p0 $0xFFFFF086;
	s6 =	sadd.s32 @!p0 s3, s7;
	s7 =	simm.s32 @!p0 $0x108  }
0x21: {  	s3 =	sadd.s32 s3, s9;
	s6 =	sadd.s32 @!p0 $0x88, s6;
	s7 =	simm.s32 @p2 $0x1082  }
0x22: {  	[simem:s7], [sflag:s8] =	dma.local @!p0 [hbm:s6], $0xF7A  }
0x23: {  	s9 =	sor.u32 $0xD0000000, s2;
	s6 =	simm.s32 $0x108;
	_ =	swait.ge @!p0 [sflag:s8], $0x0  }
0x24: {  	s3 =	sadd.s32 $0x88, s3;
	s6 =	simm.s32 @!p1 $0x1082;
	[sflag:s4] =	ssyncset.s32 $0xFFFFF086  }
0x25: {  	[simem:s6], [sflag:s4] =	dma.local [hbm:s3], $0xF7A  }
0x26: {  	[smem:$0x3F99] =	sst s1;
	(tag) =	ssettag s2;
	_ =	strace s9  }
0x27: {  	s1 =	sld [smem:$0x3FA9]  }
0x28: {  	s2 =	sld [smem:$0x3FAA]  }
0x29: {  	s4 =	sld [smem:$0x3FAC]  }
0x2a: {  	p0 =	seq.s32 s5, $0x0;
	s5 =	sld [smem:$0x3FAD]  }
0x2b: {  	s6 =	sld [smem:$0x3FAE]  }
0x2c: {  	s7 =	sld [smem:$0x3FAF]  }
0x2d: {  	s3 =	simm.s32 $0x108;
	s8 =	sld [smem:$0x3FB0]  }
0x2e: {  	s3 =	simm.s32 @!p0 $0x1082;
	s9 =	sld [smem:$0x3FB1]  }
0x2f: {  	lr =	sadd.s32 s0, s3;
	s0 =	sld [smem:$0x3FA8]  }
0x30: {  	s3 =	sld [smem:$0x3FAB]  }
0x31: {  	[smem:$0x3FB4] =	sst s10  }
0x32: {  	s10 =	sld [smem:$0x3FB2];
	_ =	sdelay $0x3  }
0x33: {  	p0 =	seq.s32 s10, $0x1;
	s10 =	sld [smem:$0x3FB4];
	_ =	sdelay $0x3  }
0x34: {  	[smem:$0x3FB4] =	sst s10  }
0x35: {  	s10 =	sld [smem:$0x3FB3];
	_ =	sdelay $0x3  }
0x36: {  	p1 =	seq.s32 s10, $0x1;
	s10 =	sld [smem:$0x3FB4];
	_ =	sdelay $0x3  }
0x37: {  	[smem:$0x3FB4] =	sst s10  }
0x38: {  	s10 =	sld [smem:$0x3FB5]  }
0x39: {  	_ = 	snop;
	(pc) =	sbr.ind lr, $3  }
0x3a: {  	_ = 	snop  }
0x3b: {  	_ = 	snop  }
0x3c: {  	p2 =	seq.s32 s10, $0x1;
	s10 =	sld [smem:$0x3FB4]  }
0x3d: {  	_ =	shalt  }
0x3e: {  	_ =	shalt  }
0x3f: {  	_ =	shalt  }
0x40: {  	_ =	shalt  }
0x41: {  	_ =	shalt  }
0x42: {  	_ =	shalt  }
0x43: {  	_ =	shalt  }
0x44: {  	_ =	shalt  }
0x45: {  	_ =	shalt  }
0x46: {  	_ =	shalt  }
0x47: {  	_ =	shalt  }
0x48: {  	_ =	shalt  }
0x49: {  	_ =	shalt  }
0x4a: {  	_ =	shalt  }
0x4b: {  	_ =	shalt  }
0x4c: {  	_ =	shalt  }
0x4d: {  	_ =	shalt  }
0x4e: {  	_ =	shalt  }
0x4f: {  	_ =	shalt  }
0x50: {  	_ =	shalt  }
0x51: {  	_ =	shalt  }
0x52: {  	_ =	shalt  }
0x53: {  	_ =	shalt  }
0x54: {  	_ =	shalt  }
0x55: {  	_ =	shalt  }
0x56: {  	_ =	shalt  }
0x57: {  	_ =	shalt  }
0x58: {  	_ =	shalt  }
0x59: {  	_ =	shalt  }
0x5a: {  	_ =	shalt  }
0x5b: {  	_ =	shalt  }
0x5c: {  	_ =	shalt  }
0x5d: {  	_ =	shalt  }
0x5e: {  	_ =	shalt  }
0x5f: {  	_ =	shalt  }
0x60: {  	_ =	shalt  }
0x61: {  	_ =	shalt  }
0x62: {  	_ =	shalt  }
0x63: {  	_ =	shalt  }
0x64: {  	_ =	shalt  }
0x65: {  	_ =	shalt  }
0x66: {  	_ =	shalt  }
0x67: {  	_ =	shalt  }
0x68: {  	_ =	shalt  }
0x69: {  	_ =	shalt  }
0x6a: {  	_ =	shalt  }
0x6b: {  	_ =	shalt  }
0x6c: {  	_ =	shalt  }
0x6d: {  	_ =	shalt  }
0x6e: {  	_ =	shalt  }
0x6f: {  	_ =	shalt  }
0x70: {  	_ =	shalt  }
0x71: {  	_ =	shalt  }
0x72: {  	_ =	shalt  }
0x73: {  	_ =	shalt  }
0x74: {  	_ =	shalt  }
0x75: {  	_ =	shalt  }
0x76: {  	_ =	shalt  }
0x77: {  	_ =	shalt  }
0x78: {  	_ =	shalt  }
0x79: {  	_ =	shalt  }
0x7a: {  	_ =	shalt  }
0x7b: {  	_ =	shalt  }
0x7c: {  	_ =	shalt  }
0x7d: {  	_ =	shalt  }
0x7e: {  	_ =	shalt  }
0x7f: {  	_ =	shalt  }
0x80: {  	_ =	shalt  }
0x81: {  	_ =	shalt  }
0x82: {  	_ =	shalt  }
0x83: {  	_ =	shalt  }
0x84: {  	_ =	shalt  }
0x85: {  	_ =	shalt  }
0x86: {  	_ =	shalt  }
0x87: {  	_ =	shalt  }
.Lfunc_end0:
.L_simem_size_0:
called_computation.2_lowered:
.L_overlay_start_0:
0x88: {  	s2 =	sld [smem:$0x3FD9]  }
0x89: {  	s3 =	sld [smem:$0x3FFE];
	_ =	sdelay $0x1  }
0x8a: {  	s1 =	srdreg.scid  }
0x8b: {  	s0 =	sand.u32 $0x1, s1  }
0x8c: {  	s16 =	sshll.u32 s0, $0xA;
	s2 =	sadd.s32 s3, s2  }
0x8d: {  	s2 =	sadd.s32 s2, s16  }
0x8e: {  	[smem:$0x3FC0] =	sst s2  }
0x8f: {  	_ = 	snop  }
0x90: {  	(tm) =	ssettm $0x1  }
0x91: {  	s17 =	sld [smem:$0x3FFB];
	_ =	sdelay $0x3  }
0x92: {  	_ =	strace s17  }
0x93: {  	s2 =	sld [smem:$0x3FFC];
	_ =	sdelay $0x3  }
0x94: {  	_ =	strace s2  }
0x95: {  	s2 =	sld [smem:$0x3FFD];
	_ =	sdelay $0x3  }
0x96: {  	_ =	strace s2  }
0x97: {  	_ =	strace $0x8FFFFFFF  }
0x98: {  	s18 =	sld [smem:$0x3FDB];
	_ =	sdelay $0x1  }
0x99: {  	s19 =	simm.s32 $_scs_section_size  }
0x9a: {  	s4 =	simm.s32 $_size__tile_overlayer_lowered;
	s5 =	simm.s32 $_tile_overlayer_lowered  }
0x9b: {  	s22 =	simm.s32 $0x1BFF;
	s21 =	sshll.u32 s5, $0x1;
	s2 =	sadd.s32 s19, s18  }
0x9c: {  	s6 =	simm.s32 $0x0;
	s20 =	sshll.u32 s4, $0x1;
	s4 =	sadd.s32 s21, s2  }
0x9d: {  	[timem:s6], [sflag:s22] =	dma.local [hbm:s4], s20  }
0x9e: {  	_ =	swait.ge [sflag:s22], s20  }
0x9f: {  	s3 =	ssub.s32 $0x0, s20;
	[sflag:s22] =	ssyncset.done $0x0  }
0xa0: {  	[sflag:s22] =	ssyncadd.s32 s3;
	_ =	sdelay $0x1  }
0xa1: {  	s23 =	simm.s32 $0x1B8B  }
0xa2: {  	_ =	swait.ge [sflag:s23], $0x1  }
0xa3: {  	[sflag:s23] =	ssyncset.done $0x0  }
0xa4: {  	s25 =	simm.s32 $0x1B8E;
	s24 =	sld [smem:$0x3FFE];
	[sflag:s23] =	ssyncadd.s32 $0xFFFFFFFF  }
0xa5: {  	s26 =	simm.s32 $execute0_lowered;
	[smem:$0x3FD2] =	sst s25  }
0xa6: {  	s4 =	sshll.u32 s26, $0x1;
	_ =	strace $0x8000004C;
	[dreg:$0x1] =	wrdreg $0xFFFFFFFF  }
0xa7: {  	s28 =	simm.s32 $_size_execute0_lowered;
	s2 =	sadd.s32 s2, s4;
	[dreg:$0x0] =	wrdreg $0x0  }
0xa8: {  	s4 =	sshll.u32 s28, $0x1;
	[dreg:$0x2] =	wrdreg s2  }
0xa9: {  	[dreg:$0x3] =	wrdreg s4  }
0xaa: {  	[dreg:$0x4] =	wrdreg $0xC0  }
0xab: {  	_ =	task [dreg:s6], $0x5FFFF  }
0xac: {  	[dreg:$0x1] =	wrdreg $0xFFFFFFFF  }
0xad: {  	[dreg:$0x0] =	wrdreg $0x60  }
0xae: {  	[dreg:$0x2] =	wrdreg s24  }
0xaf: {  	[dreg:$0x3] =	wrdreg $0x41000  }
0xb0: {  	[dreg:$0x4] =	wrdreg $0x9  }
0xb1: {  	_ =	task.clear_ibuf [dreg:s6], $0x5FFFF;
	_ =	strace $0x9000004C  }
0xb2: {  	s29 =	simm.s32 $0x9;
	_ =	strace $0x8000004E  }
0xb3: {  	_ =	swait.ge [sflag:s29], $0x1  }
0xb4: {  	[sflag:s29] =	ssyncadd.s32 $0xFFFFFFFF  }
0xb5: {  	_ =	strace $0x9000004E  }
0xb6: {  	_ =	sfence  }
0xb7: {  	s30 =	sld [smem:$0x0];
	_ =	sdelay $0x2  }
0xb8: {  	s31 =	sshll.u32 s1, $0xD;
	s1 =	sshrl.u32 s1, $0x2  }
0xb9: {  	s3 =	sand.u32 $0x4000, s31;
	s1 =	sadd.s32 s1, s30  }
0xba: {  	s0 =	sor.u32 s3, s0;
	s1 =	sshll.u32 s1, $0x11  }
0xbb: {  	s0 =	sor.u32 s1, s0  }
0xbc: {  	s0 =	sadd.s32 $0x8F2B, s0  }
0xbd: {  	[sflag:s0] =	ssyncadd.remote.s32 $0x1  }
0xbe: {  	_ =	sfence.sel $0xFFFF  }
0xbf: {  	[dreg:$0x0] =	wrdreg $0xFFFFFFFF;
	(pc) =	sbr.abs _section_cstart, $3  }
0xc0: {  	[dreg:$0x1] =	wrdreg $0xFFFFFFFF  }
0xc1: {  	_ =	task.clear_ibuf [dreg:s6], $0x2FFFF;
	_ =	strace $0x9FFFFFFF  }
0xc2: {  	(tm) =	ssettm $0x7FFFFFFF  }
0xc3: {  	_ =	shalt  }
tec
execute0_lowered:
.L_overlay_start_1:
0x0: {  	(tag) =	ssettag $0x1  }
0x1: {  	s6 =	rddreg [dreg:$0x0]  }
0x2: {  	s2 =	rddreg [dreg:$0x1];
	s0 =	stileid.u32  }
0x3: {  	s3 =	srdreg.scid;
	s4 =	smul.u32 $0x28, s0  }
0x4: {  	s1 =	rddreg [dreg:$0x2];
	s5 =	smul.u32 $0x76, s0  }
0x5: {  	s22 =	simm.s32 $0x80;
	s23 =	simm.s32 $0x1;
	s11 =	smul.u32 $0x280, s0  }
0x6: {  	s8 =	sand.u32 $0x1, s3;
	s3 =	simm.s32 $0x0;
	s10 =	smul.u32 $0x50000, s0  }
0x7: {  	s16 =	sadd.s32 $0x47E00, s6;
	p0 =	seq.s32 s8, $0x0;
	[smem:$0x7FF] =	sst s3  }
0x8: {  	s24 =	ssub.s32 $0x2, s8;
	s20 =	smul.u32 $0x2800, s8;
	s7 =	sadd.s32 $0x760, s4  }
0x9: {  	_ =	strace $0x8000004D;
	s4 =	sadd.s32 $0x20C00, s6;
	s9 =	sshrl.u32 s24, $0x1  }
0xa: {  	s12 =	sadd.s32 $0x80, s11;
	s25 =	sshrl.u32 s10, $0x2;
	s14 =	sadd.s32 $0x100, s11  }
0xb: {  	s15 =	sadd.s32 $0x180, s11;
	s18 =	sadd.s32 $0x200, s11;
	s7 =	smov.u32 @p0 s5  }
0xc: {  	s17 =	ssub.s32 s24, s9;
	s26 =	sshll.u32 s12, $0x7;
	s28 =	sshll.u32 s14, $0x7  }
0xd: {  	s29 =	sshll.u32 s15, $0x7;
	s30 =	sshll.u32 s18, $0x7;
	s13 =	sadd.s32 s11, s20  }
0xe: {  	s11 =	simm.s32 $0x76;
	s21 =	sadd.s32 s20, s12;
	s14 =	sadd.s32 s20, s14  }
0xf: {  	s15 =	sadd.s32 s20, s15;
	s18 =	sadd.s32 s20, s18;
	s20 =	simm.s32 $0x100  }
0x10: {  	s24 =	simm.s32 $0x0;
	s5 =	sshll.u32 s7, $0x4;
	s7 =	sadd.s32 s26, s2  }
0x11: {  	s8 =	sadd.s32 s28, s2;
	s9 =	sadd.s32 s29, s2;
	s10 =	sadd.s32 s30, s2  }
0x12: {  	s13 =	sshll.u32 s13, $0x4;
	s11 =	simm.s32 @!p0 $0x28;
	s31 =	sshll.u32 s21, $0x4  }
0x13: {  	s14 =	sshll.u32 s14, $0x4;
	s15 =	sshll.u32 s15, $0x4;
	s18 =	sshll.u32 s18, $0x4  }
0x14: {  	s17 =	smax.u32 s17, $0x1;
	s21 =	simm.s32 $0x2;
	s19 =	sadd.s32 s5, s6  }
0x15: {  	s5 =	sadd.s32 $0xC800, s6;
	s6 =	sadd.s32 s25, s2;
	s12 =	sadd.s32 s16, s13  }
0x16: {  	s13 =	sadd.s32 s16, s31;
	s14 =	sadd.s32 s16, s14;
	s15 =	sadd.s32 s16, s15  }
0x17: {  	s16 =	sadd.s32 s16, s18;
	s18 =	sadd.s32 $0x2A00, s19;
	s19 =	sadd.s32 $0x16E00, s19  }
.LBB2_1:
0x18: {  	[tilespmem:s20], [sflag:$0x2] =	stream.linear.gather [hbm4b:s5+s3], $0x4000, $0x38;
	[tilespmem:$0x18100] =	vst v63  }
0x19: {  	_ =	swait.ge [sflag:s21], $0x4000  }
0x1a: {  	[sflag:s21] =	ssyncset.done $0x0  }
0x1b: {  	[sflag:s21] =	ssyncadd.s32 $0xFFFFC000  }
0x1c: {  	[spmem:s6] =	stream.linear.scatter [tilespmem:s20], [sflag:$0x2], $0x4000, $0x38;
	[tilespmem:$0x18100] =	vst v63  }
0x1d: {  	_ =	swait.ge [sflag:s21], $0x4000  }
0x1e: {  	[sflag:s21] =	ssyncset.done $0x0  }
0x1f: {  	[sflag:s21] =	ssyncadd.s32 $0xFFFFC000  }
0x20: {  	[spmem:s7] =	stream.linear.scatter [tilespmem:s20], [sflag:$0x2], $0x4000, $0x38;
	[tilespmem:$0x18100] =	vst v63  }
0x21: {  	_ =	swait.ge [sflag:s21], $0x4000  }
0x22: {  	[sflag:s21] =	ssyncset.done $0x0  }
0x23: {  	[sflag:s21] =	ssyncadd.s32 $0xFFFFC000  }
0x24: {  	[spmem:s8] =	stream.linear.scatter [tilespmem:s20], [sflag:$0x2], $0x4000, $0x38;
	[tilespmem:$0x18100] =	vst v63  }
0x25: {  	_ =	swait.ge [sflag:s21], $0x4000  }
0x26: {  	[sflag:s21] =	ssyncset.done $0x0  }
0x27: {  	[sflag:s21] =	ssyncadd.s32 $0xFFFFC000  }
0x28: {  	[spmem:s9] =	stream.linear.scatter [tilespmem:s20], [sflag:$0x2], $0x4000, $0x38;
	[tilespmem:$0x18100] =	vst v63  }
0x29: {  	_ =	swait.ge [sflag:s21], $0x4000  }
0x2a: {  	[sflag:s21] =	ssyncset.done $0x0  }
0x2b: {  	[sflag:s21] =	ssyncadd.s32 $0xFFFFC000  }
0x2c: {  	[spmem:s10] =	stream.linear.scatter [tilespmem:s20], [sflag:$0x2], $0x4000, $0x38;
	[tilespmem:$0x18100] =	vst v63  }
0x2d: {  	_ =	swait.ge [sflag:s21], $0x4000  }
0x2e: {  	[sflag:s21] =	ssyncset.done $0x0  }
0x2f: {  	[sflag:s21] =	ssyncadd.s32 $0xFFFFC000  }
0x30: {  	[bflag:$0x0] =	sbarrier.arrive $0xFFFF  }
0x31: {  	[tilespmem:s3], [sflag:$0x2] =	stream.linear.gather [hbm4b:s19+s3], $0x80, $0x38;
	[tilespmem:$0x18100] =	vst v63  }
0x32: {  	_ =	swait.ge [sflag:s21], $0x80  }
0x33: {  	[sflag:s21] =	ssyncset.done $0x0  }
0x34: {  	[sflag:s21] =	ssyncadd.s32 $0xFFFFFF80  }
0x35: {  	[tilespmem:s22], [sflag:$0x2] =	stream.linear.gather [hbm4b:s18+s3], $0x80, $0x38;
	[tilespmem:$0x18100] =	vst v63  }
0x36: {  	_ =	swait.ge [sflag:s21], $0x80  }
0x37: {  	[sflag:s21] =	ssyncset.done $0x0  }
0x38: {  	[sflag:s21] =	ssyncadd.s32 $0xFFFFFF80  }
0x39: {  	[tilespmem:s20], [sflag:$0x1] =	stream.indirect.gather [hbm4b:s4+s22], $0x80, s3, s22, $0xb8;
	[tilespmem:$0x18100] =	vst v63  }
0x3a: {  	p0 =	sne.s32 s11, $0x1;
	_ =	swait.ge [sflag:s23], $0x4000  }
.Ltmp0:
0x3b: {  	[sflag:s23] =	ssyncset.done $0x0;
	(pc) =	sbr.rel @!p0 .LBB2_3-.Ltmp0, $4  }
0x3c: {  	[sflag:s23] =	ssyncadd.s32 $0xFFFFC000  }
0x3d: {  	[spmem:s2] =	stream.indirect.scatter.add.f32 [tilespmem:s20], [sflag:$0x2], $0x80, s22, s22, $0xb8;
	[tilespmem:$0x18100] =	vst v63  }
0x3e: {  	s25 =	sadd.s32 $0xFFFFFFFF, s11;
	_ =	swait.ge [sflag:s21], $0x4000  }
0x3f: {  	s26 =	smov.u32 s18;
	s28 =	smov.u32 s19;
	[sflag:s21] =	ssyncset.done $0x0  }
.LBB2_2:
0x40: {  	[sflag:s21] =	ssyncadd.s32 $0xFFFFC000;
	s26 =	sadd.s32 $0x10, s26;
	s28 =	sadd.s32 $0x10, s28  }
0x41: {  	[tilespmem:s3], [sflag:$0x2] =	stream.linear.gather [hbm4b:s28+s3], $0x80, $0x38;
	[tilespmem:$0x18100] =	vst v63  }
0x42: {  	p0 =	sne.s32 s25, $0x1;
	s25 =	sadd.s32 $0xFFFFFFFF, s25;
	_ =	swait.ge [sflag:s21], $0x80  }
0x43: {  	[sflag:s21] =	ssyncset.done $0x0  }
0x44: {  	[sflag:s21] =	ssyncadd.s32 $0xFFFFFF80  }
0x45: {  	[tilespmem:s22], [sflag:$0x2] =	stream.linear.gather [hbm4b:s26+s3], $0x80, $0x38;
	[tilespmem:$0x18100] =	vst v63  }
0x46: {  	_ =	swait.ge [sflag:s21], $0x80  }
0x47: {  	[sflag:s21] =	ssyncset.done $0x0  }
0x48: {  	[sflag:s21] =	ssyncadd.s32 $0xFFFFFF80  }
0x49: {  	[tilespmem:s20], [sflag:$0x1] =	stream.indirect.gather [hbm4b:s4+s22], $0x80, s3, s22, $0xb8;
	[tilespmem:$0x18100] =	vst v63  }
0x4a: {  	_ =	swait.ge [sflag:s23], $0x4000  }
.Ltmp1:
0x4b: {  	[sflag:s23] =	ssyncset.done $0x0;
	(pc) =	sbr.rel @p0 .LBB2_2-.Ltmp1, $4  }
0x4c: {  	[sflag:s23] =	ssyncadd.s32 $0xFFFFC000  }
0x4d: {  	[spmem:s2] =	stream.indirect.scatter.add.f32 [tilespmem:s20], [sflag:$0x2], $0x80, s22, s22, $0xb8;
	[tilespmem:$0x18100] =	vst v63  }
0x4e: {  	_ =	swait.ge [sflag:s21], $0x4000  }
0x4f: {  	[sflag:s21] =	ssyncset.done $0x0  }
.LBB2_3:
0x50: {  	[sflag:s21] =	ssyncadd.s32 $0xFFFFC000;
	s25 =	sshll.u32 s0, $0x6  }
0x51: {  	s26 =	sshrl.u32 s6, $0x3;
	[bflag:$0x0] =	sbarrier.arrive $0xFFFF;
	s25 =	sor.u32 $0x1C02, s25  }
0x52: {  	[hbm:s12], [sflag:s25] =	dma.local [spmem:s26], $0x800  }
0x53: {  	_ =	swait.ge [sflag:s21], $0x800  }
0x54: {  	[sflag:s21] =	ssyncset.done $0x0  }
0x55: {  	s28 =	sshrl.u32 s7, $0x3;
	[sflag:s21] =	ssyncadd.s32 $0xFFFFF800  }
0x56: {  	[hbm:s13], [sflag:s25] =	dma.local [spmem:s28], $0x800  }
0x57: {  	_ =	swait.ge [sflag:s21], $0x800  }
0x58: {  	[sflag:s21] =	ssyncset.done $0x0  }
0x59: {  	s29 =	sshrl.u32 s8, $0x3;
	[sflag:s21] =	ssyncadd.s32 $0xFFFFF800  }
0x5a: {  	[hbm:s14], [sflag:s25] =	dma.local [spmem:s29], $0x800  }
0x5b: {  	_ =	swait.ge [sflag:s21], $0x800  }
0x5c: {  	[sflag:s21] =	ssyncset.done $0x0  }
0x5d: {  	s30 =	sshrl.u32 s9, $0x3;
	[sflag:s21] =	ssyncadd.s32 $0xFFFFF800  }
0x5e: {  	[hbm:s15], [sflag:s25] =	dma.local [spmem:s30], $0x800  }
0x5f: {  	s24 =	sadd.s32 $0x1, s24;
	_ =	swait.ge [sflag:s21], $0x800  }
0x60: {  	p0 =	sne.s32 s24, s17;
	[sflag:s21] =	ssyncset.done $0x0  }
.Ltmp2:
0x61: {  	s31 =	sshrl.u32 s10, $0x3;
	[sflag:s21] =	ssyncadd.s32 $0xFFFFF800;
	(pc) =	sbr.rel @p0 .LBB2_1-.Ltmp2, $4  }
0x62: {  	[hbm:s16], [sflag:s25] =	dma.local [spmem:s31], $0x800  }
0x63: {  	_ =	swait.ge [sflag:s21], $0x800  }
0x64: {  	[sflag:s21] =	ssyncset.done $0x0  }
0x65: {  	[sflag:s21] =	ssyncadd.s32 $0xFFFFF800  }
0x66: {  	_ =	sfence.sel $0x180000  }
0x67: {  	[bflag:$0x0] =	sbarrier.arrive $0xFFFF  }
0x68: {  	p0 =	sne.s32 s0, $0x0;
	_ =	strace $0x9000004D  }
0x69: {  	s0 =	sadd.s32 @!p0 $0x100000, s1;
	[bflag:$0x2] =	sbarrier.arrive $0xFFFF  }
0x6a: {  	[sflag:s0] =	ssyncadd.tile.s32 @!p0 $0x1;
	_ =	shalt  }
.Lfunc_end2:
_tile_overlayer_lowered:
.L_overlay_start_2:
0x6b: {  	(tag) =	ssettag $0x2  }
0x6c: {  	s0 =	rddreg [dreg:$0x0];
	s2 =	stileid.u32  }
0x6d: {  	s1 =	rddreg [dreg:$0x1];
	p0 =	sne.s32 s2, $0x0  }
0x6e: {  	s3 =	rddreg [dreg:$0x2];
	[bflag:$0x3] =	sbarrier.arrive $0xFFFF;
	s2 =	simm.s32 @!p0 $0x1C02  }
0x6f: {  	[timem:s3], [sflag:s2] =	dma.local @!p0 [hbm:s0], s1  }
0x70: {  	s0 =	simm.s32 @!p0 $0x2  }
0x71: {  	_ =	swait.ge @!p0 [sflag:s0], s1  }
0x72: {  	s1 =	ssub.s32 @!p0 $0x0, s1;
	[sflag:s0] =	ssyncset.done @!p0 $0x0  }
0x73: {  	[sflag:s0] =	ssyncadd.s32 @!p0 s1  }
0x74: {  	[bflag:$0x3] =	sbarrier.arrive $0xFFFF  }
0x75: {  	_ =	shalt  }

// kernel: kernel.9.cloned.1.call-start
scs
__scs_entry_jumppad:
0x0: {  	(pc) =	sbr.rel $0x88, $3  }
0x1: {  	(tag) =	ssettag $0x0;
	lr =	simm.s32 $0x1  }
0x2: {  	[smem:$0x3F99] =	sst lr;
	_ =	strace $0xD0000000  }
0x3: {  	_ = 	snop  }
0x4: {  	_ = 	snop  }
0x5: {  	_ = 	snop  }
0x6: {  	_ = 	snop  }
0x7: {  	_ = 	snop  }
__scs_overlays_trampoline_lowered:
0x8: {  	[smem:$0x3FA8] =	sst s0  }
0x9: {  	[smem:$0x3FA9] =	sst s1  }
0xa: {  	[smem:$0x3FAA] =	sst s2  }
0xb: {  	[smem:$0x3FAB] =	sst s3  }
0xc: {  	[smem:$0x3FAC] =	sst s4  }
0xd: {  	[smem:$0x3FAD] =	sst s5  }
0xe: {  	[smem:$0x3FAE] =	sst s6  }
0xf: {  	[smem:$0x3FAF] =	sst s7  }
0x10: {  	[smem:$0x3FB0] =	sst s8  }
0x11: {  	[smem:$0x3FB1] =	sst s9;
	s0 =	simm.s32 @!p0 $0x0  }
0x12: {  	s1 =	sld [smem:$0x3F97];
	s0 =	simm.s32 @p0 $0x1  }
0x13: {  	[smem:$0x3FB2] =	sst s0;
	s0 =	simm.s32 @!p1 $0x0  }
0x14: {  	s2 =	sld [smem:$0x3F96];
	s0 =	simm.s32 @p1 $0x1  }
0x15: {  	[smem:$0x3FB3] =	sst s0;
	s0 =	simm.s32 @!p2 $0x0  }
0x16: {  	s3 =	sld [smem:$0x3FDB];
	s0 =	simm.s32 @p2 $0x1  }
0x17: {  	s4 =	simm.s32 $0x1BF5;
	[smem:$0x3FB5] =	sst s0  }
0x18: {  	s0 =	sld [smem:$0x3F98];
	_ =	swait.ge [sflag:s4], $0x0  }
0x19: {  	s7 =	sld [smem:$0x3F99]  }
0x1a: {  	s8 =	sadd.s32 $0xFFFFE003, lr  }
0x1b: {  	s9 =	sadd.s32 $0xFFFFFEF7, lr;
	s5 =	simm.s32 $0xFFFFFFFF;
	p2 =	slt.u32 s8, $0xFFFFF086  }
0x1c: {  	p1 =	slt.u32 s9, $0xF7A;
	s5 =	simm.s32 @!p2 $0x0  }
0x1d: {  	s5 =	simm.s32 @p1 $0x1;
	p0 =	seq.s32 s7, s2  }
0x1e: {  	s7 =	smul.u32 @!p0 $0xF7A, s2;
	p2 =	seq.s32 @!p0 s5, $0x0  }
0x1f: {  	s9 =	smul.u32 $0xF7A, s1;
	s8 =	simm.s32 @!p0 $0x1BF5;
	p2 =	por !p2, p0  }
0x20: {  	[sflag:s8] =	ssyncset.s32 @!p0 $0xFFFFF086;
	s6 =	sadd.s32 @!p0 s3, s7;
	s7 =	simm.s32 @!p0 $0x108  }
0x21: {  	s3 =	sadd.s32 s3, s9;
	s6 =	sadd.s32 @!p0 $0x88, s6;
	s7 =	simm.s32 @p2 $0x1082  }
0x22: {  	[simem:s7], [sflag:s8] =	dma.local @!p0 [hbm:s6], $0xF7A  }
0x23: {  	s9 =	sor.u32 $0xD0000000, s2;
	s6 =	simm.s32 $0x108;
	_ =	swait.ge @!p0 [sflag:s8], $0x0  }
0x24: {  	s3 =	sadd.s32 $0x88, s3;
	s6 =	simm.s32 @!p1 $0x1082;
	[sflag:s4] =	ssyncset.s32 $0xFFFFF086  }
0x25: {  	[simem:s6], [sflag:s4] =	dma.local [hbm:s3], $0xF7A  }
0x26: {  	[smem:$0x3F99] =	sst s1;
	(tag) =	ssettag s2;
	_ =	strace s9  }
0x27: {  	s1 =	sld [smem:$0x3FA9]  }
0x28: {  	s2 =	sld [smem:$0x3FAA]  }
0x29: {  	s4 =	sld [smem:$0x3FAC]  }
0x2a: {  	p0 =	seq.s32 s5, $0x0;
	s5 =	sld [smem:$0x3FAD]  }
0x2b: {  	s6 =	sld [smem:$0x3FAE]  }
0x2c: {  	s7 =	sld [smem:$0x3FAF]  }
0x2d: {  	s3 =	simm.s32 $0x108;
	s8 =	sld [smem:$0x3FB0]  }
0x2e: {  	s3 =	simm.s32 @!p0 $0x1082;
	s9 =	sld [smem:$0x3FB1]  }
0x2f: {  	lr =	sadd.s32 s0, s3;
	s0 =	sld [smem:$0x3FA8]  }
0x30: {  	s3 =	sld [smem:$0x3FAB]  }
0x31: {  	[smem:$0x3FB4] =	sst s10  }
0x32: {  	s10 =	sld [smem:$0x3FB2];
	_ =	sdelay $0x3  }
0x33: {  	p0 =	seq.s32 s10, $0x1;
	s10 =	sld [smem:$0x3FB4];
	_ =	sdelay $0x3  }
0x34: {  	[smem:$0x3FB4] =	sst s10  }
0x35: {  	s10 =	sld [smem:$0x3FB3];
	_ =	sdelay $0x3  }
0x36: {  	p1 =	seq.s32 s10, $0x1;
	s10 =	sld [smem:$0x3FB4];
	_ =	sdelay $0x3  }
0x37: {  	[smem:$0x3FB4] =	sst s10  }
0x38: {  	s10 =	sld [smem:$0x3FB5]  }
0x39: {  	_ = 	snop;
	(pc) =	sbr.ind lr, $3  }
0x3a: {  	_ = 	snop  }
0x3b: {  	_ = 	snop  }
0x3c: {  	p2 =	seq.s32 s10, $0x1;
	s10 =	sld [smem:$0x3FB4]  }
0x3d: {  	_ =	shalt  }
0x3e: {  	_ =	shalt  }
0x3f: {  	_ =	shalt  }
0x40: {  	_ =	shalt  }
0x41: {  	_ =	shalt  }
0x42: {  	_ =	shalt  }
0x43: {  	_ =	shalt  }
0x44: {  	_ =	shalt  }
0x45: {  	_ =	shalt  }
0x46: {  	_ =	shalt  }
0x47: {  	_ =	shalt  }
0x48: {  	_ =	shalt  }
0x49: {  	_ =	shalt  }
0x4a: {  	_ =	shalt  }
0x4b: {  	_ =	shalt  }
0x4c: {  	_ =	shalt  }
0x4d: {  	_ =	shalt  }
0x4e: {  	_ =	shalt  }
0x4f: {  	_ =	shalt  }
0x50: {  	_ =	shalt  }
0x51: {  	_ =	shalt  }
0x52: {  	_ =	shalt  }
0x53: {  	_ =	shalt  }
0x54: {  	_ =	shalt  }
0x55: {  	_ =	shalt  }
0x56: {  	_ =	shalt  }
0x57: {  	_ =	shalt  }
0x58: {  	_ =	shalt  }
0x59: {  	_ =	shalt  }
0x5a: {  	_ =	shalt  }
0x5b: {  	_ =	shalt  }
0x5c: {  	_ =	shalt  }
0x5d: {  	_ =	shalt  }
0x5e: {  	_ =	shalt  }
0x5f: {  	_ =	shalt  }
0x60: {  	_ =	shalt  }
0x61: {  	_ =	shalt  }
0x62: {  	_ =	shalt  }
0x63: {  	_ =	shalt  }
0x64: {  	_ =	shalt  }
0x65: {  	_ =	shalt  }
0x66: {  	_ =	shalt  }
0x67: {  	_ =	shalt  }
0x68: {  	_ =	shalt  }
0x69: {  	_ =	shalt  }
0x6a: {  	_ =	shalt  }
0x6b: {  	_ =	shalt  }
0x6c: {  	_ =	shalt  }
0x6d: {  	_ =	shalt  }
0x6e: {  	_ =	shalt  }
0x6f: {  	_ =	shalt  }
0x70: {  	_ =	shalt  }
0x71: {  	_ =	shalt  }
0x72: {  	_ =	shalt  }
0x73: {  	_ =	shalt  }
0x74: {  	_ =	shalt  }
0x75: {  	_ =	shalt  }
0x76: {  	_ =	shalt  }
0x77: {  	_ =	shalt  }
0x78: {  	_ =	shalt  }
0x79: {  	_ =	shalt  }
0x7a: {  	_ =	shalt  }
0x7b: {  	_ =	shalt  }
0x7c: {  	_ =	shalt  }
0x7d: {  	_ =	shalt  }
0x7e: {  	_ =	shalt  }
0x7f: {  	_ =	shalt  }
0x80: {  	_ =	shalt  }
0x81: {  	_ =	shalt  }
0x82: {  	_ =	shalt  }
0x83: {  	_ =	shalt  }
0x84: {  	_ =	shalt  }
0x85: {  	_ =	shalt  }
0x86: {  	_ =	shalt  }
0x87: {  	_ =	shalt  }
.Lfunc_end0:
.L_simem_size_0:
called_computation_lowered:
.L_overlay_start_0:
0x88: {  	s2 =	sld [smem:$0x3FD9]  }
0x89: {  	s3 =	sld [smem:$0x3FFE];
	_ =	sdelay $0x1  }
0x8a: {  	s1 =	srdreg.scid  }
0x8b: {  	s0 =	sand.u32 $0x1, s1  }
0x8c: {  	s16 =	sshll.u32 s0, $0xA;
	s2 =	sadd.s32 s3, s2  }
0x8d: {  	s2 =	sadd.s32 s2, s16  }
0x8e: {  	[smem:$0x3FC0] =	sst s2  }
0x8f: {  	_ = 	snop  }
0x90: {  	(tm) =	ssettm $0x1  }
0x91: {  	s17 =	sld [smem:$0x3FFB];
	_ =	sdelay $0x3  }
0x92: {  	_ =	strace s17  }
0x93: {  	s2 =	sld [smem:$0x3FFC];
	_ =	sdelay $0x3  }
0x94: {  	_ =	strace s2  }
0x95: {  	s2 =	sld [smem:$0x3FFD];
	_ =	sdelay $0x3  }
0x96: {  	_ =	strace s2  }
0x97: {  	_ =	strace $0x8FFFFFFF  }
0x98: {  	s18 =	sld [smem:$0x3FDB];
	_ =	sdelay $0x1  }
0x99: {  	s19 =	simm.s32 $_scs_section_size  }
0x9a: {  	s4 =	simm.s32 $_size__tile_overlayer_lowered;
	s5 =	simm.s32 $_tile_overlayer_lowered  }
0x9b: {  	s22 =	simm.s32 $0x1BFF;
	s21 =	sshll.u32 s5, $0x1;
	s2 =	sadd.s32 s19, s18  }
0x9c: {  	s6 =	simm.s32 $0x0;
	s20 =	sshll.u32 s4, $0x1;
	s4 =	sadd.s32 s21, s2  }
0x9d: {  	[timem:s6], [sflag:s22] =	dma.local [hbm:s4], s20  }
0x9e: {  	_ =	swait.ge [sflag:s22], s20  }
0x9f: {  	s3 =	ssub.s32 $0x0, s20;
	[sflag:s22] =	ssyncset.done $0x0  }
0xa0: {  	[sflag:s22] =	ssyncadd.s32 s3;
	_ =	sdelay $0x1  }
0xa1: {  	s23 =	simm.s32 $0x1B8B  }
0xa2: {  	_ =	swait.ge [sflag:s23], $0x1  }
0xa3: {  	[sflag:s23] =	ssyncset.done $0x0  }
0xa4: {  	s25 =	simm.s32 $0x1B8E;
	s24 =	sld [smem:$0x3FFE];
	[sflag:s23] =	ssyncadd.s32 $0xFFFFFFFF  }
0xa5: {  	s26 =	simm.s32 $execute0_lowered;
	[smem:$0x3FD2] =	sst s25  }
0xa6: {  	s4 =	sshll.u32 s26, $0x1;
	_ =	strace $0x80000046;
	[dreg:$0x1] =	wrdreg $0xFFFFFFFF  }
0xa7: {  	s28 =	simm.s32 $_size_execute0_lowered;
	s2 =	sadd.s32 s2, s4;
	[dreg:$0x0] =	wrdreg $0x0  }
0xa8: {  	s4 =	sshll.u32 s28, $0x1;
	[dreg:$0x2] =	wrdreg s2  }
0xa9: {  	[dreg:$0x3] =	wrdreg s4  }
0xaa: {  	[dreg:$0x4] =	wrdreg $0xC0  }
0xab: {  	_ =	task [dreg:s6], $0x5FFFF  }
0xac: {  	[dreg:$0x1] =	wrdreg $0xFFFFFFFF  }
0xad: {  	[dreg:$0x0] =	wrdreg $0x60  }
0xae: {  	[dreg:$0x2] =	wrdreg s24  }
0xaf: {  	[dreg:$0x3] =	wrdreg $0x9  }
0xb0: {  	_ =	task.clear_ibuf [dreg:s6], $0x4FFFF;
	_ =	strace $0x90000046  }
0xb1: {  	s29 =	simm.s32 $0x9;
	_ =	strace $0x80000048  }
0xb2: {  	_ =	swait.ge [sflag:s29], $0x1  }
0xb3: {  	[sflag:s29] =	ssyncadd.s32 $0xFFFFFFFF  }
0xb4: {  	_ =	strace $0x90000048  }
0xb5: {  	_ =	sfence  }
0xb6: {  	s30 =	sld [smem:$0x0];
	_ =	sdelay $0x2  }
0xb7: {  	s31 =	sshll.u32 s1, $0xD;
	s1 =	sshrl.u32 s1, $0x2  }
0xb8: {  	s3 =	sand.u32 $0x4000, s31;
	s1 =	sadd.s32 s1, s30  }
0xb9: {  	s0 =	sor.u32 s3, s0;
	s1 =	sshll.u32 s1, $0x11  }
0xba: {  	s0 =	sor.u32 s1, s0  }
0xbb: {  	s0 =	sadd.s32 $0x8F2B, s0  }
0xbc: {  	[sflag:s0] =	ssyncadd.remote.s32 $0x1  }
0xbd: {  	_ =	sfence.sel $0xFFFF  }
0xbe: {  	[dreg:$0x0] =	wrdreg $0xFFFFFFFF;
	(pc) =	sbr.abs _section_cstart, $3  }
0xbf: {  	[dreg:$0x1] =	wrdreg $0xFFFFFFFF  }
0xc0: {  	_ =	task.clear_ibuf [dreg:s6], $0x2FFFF;
	_ =	strace $0x9FFFFFFF  }
0xc1: {  	(tm) =	ssettm $0x7FFFFFFF  }
tec
execute0_lowered:
.L_overlay_start_1:
0x0: {  	(tag) =	ssettag $0x1  }
0x1: {  	s4 =	rddreg [dreg:$0x0];
	s2 =	srdreg.scid  }
0x2: {  	s1 =	stileid.u32;
	s0 =	rddreg [dreg:$0x1];
	s3 =	sand.u32 $0x1, s2  }
0x3: {  	s5 =	sshll.u32 s1, $0x1;
	s2 =	simm.s32 $0x0;
	s6 =	smul.u32 $0x9E0, s1  }
0x4: {  	s5 =	sor.u32 s3, s5;
	[smem:$0x7FF] =	sst s2;
	s8 =	smul.u32 $0x4F0, s3  }
0x5: {  	s7 =	ssub.s32 $0x2, s3;
	s3 =	sadd.s32 $0xC800, s4;
	s5 =	smul.u32 $0x500, s5  }
0x6: {  	_ =	strace $0x80000047;
	s6 =	sadd.s32 s6, s4;
	s9 =	sshrl.u32 s7, $0x1  }
0x7: {  	s31 =	ssub.s32 s7, s9;
	s6 =	sadd.s32 s8, s6;
	s7 =	simm.s32 $0x1  }
0x8: {  	s8 =	simm.s32 $0x2800;
	s9 =	simm.s32 $0x0;
	s4 =	sadd.s32 s5, s4  }
0x9: {  	v0 =	vimm.f32 $1.000000000e+00;
	s5 =	smax.u32 s31, $0x1;
	s6 =	sadd.s32 $0x2A00, s6;
	s4 =	sadd.s32 $0xCE00, s4  }
.LBB2_1:
0xa: {  	[tilespmem:s2], [sflag:$0x1] =	stream.linear.gather [hbm4b:s3+s2], $0x2800, $0x38;
	[tilespmem:$0x2880] =	vst v63  }
0xb: {  	_ =	swait.ge [sflag:s7], $0x2800  }
0xc: {  	[sflag:s7] =	ssyncset.done $0x0  }
0xd: {  	s10 =	simm.s32 $0x0;
	[sflag:s7] =	ssyncadd.s32 $0xFFFFD800  }
.LBB2_2:
0xe: {  	s11 =	sadd.s32 s10, s6  }
0xf: {  	[tilespmem:s8], [sflag:$0x1] =	stream.linear.gather [hbm4b:s11+s2], $0x80, $0x38;
	[tilespmem:$0x2880] =	vst v63  }
0x10: {  	_ =	swait.ge [sflag:s7], $0x80  }
0x11: {  	[sflag:s7] =	ssyncset.done $0x0  }
0x12: {  	[sflag:s7] =	ssyncadd.s32 $0xFFFFFF80  }
0x13: {  	v1 =	vld [tilespmem:$0x2800];
	_ =	sdelay $0x7  }
0x14: {  	[tilespmem:v1+s2+$0x0] =	vst.idx.add.f32.msk $0xffff, v0  }
0x15: {  	v1 =	vld [tilespmem:$0x2810];
	_ =	sdelay $0x7  }
0x16: {  	[tilespmem:v1+s2+$0x0] =	vst.idx.add.f32.msk $0xffff, v0  }
0x17: {  	v1 =	vld [tilespmem:$0x2820];
	_ =	sdelay $0x7  }
0x18: {  	[tilespmem:v1+s2+$0x0] =	vst.idx.add.f32.msk $0xffff, v0  }
0x19: {  	v1 =	vld [tilespmem:$0x2830];
	_ =	sdelay $0x7  }
0x1a: {  	[tilespmem:v1+s2+$0x0] =	vst.idx.add.f32.msk $0xffff, v0  }
0x1b: {  	v1 =	vld [tilespmem:$0x2840];
	_ =	sdelay $0x7  }
0x1c: {  	[tilespmem:v1+s2+$0x0] =	vst.idx.add.f32.msk $0xffff, v0  }
0x1d: {  	v1 =	vld [tilespmem:$0x2850];
	_ =	sdelay $0x7  }
0x1e: {  	[tilespmem:v1+s2+$0x0] =	vst.idx.add.f32.msk $0xffff, v0  }
0x1f: {  	v1 =	vld [tilespmem:$0x2860];
	_ =	sdelay $0x7  }
0x20: {  	[tilespmem:v1+s2+$0x0] =	vst.idx.add.f32.msk $0xffff, v0  }
0x21: {  	v1 =	vld [tilespmem:$0x2870];
	_ =	sdelay $0x2  }
0x22: {  	p0 =	sne.s32 s10, $0x4E0  }
.Ltmp0:
0x23: {  	_ = 	snop;
	(pc) =	sbr.rel @p0 .LBB2_2-.Ltmp0, $2  }
0x24: {  	_ =	sdelay $0x2  }
0x25: {  	s10 =	sadd.s32 $0x10, s10;
	[tilespmem:v1+s2+$0x0] =	vst.idx.add.f32.msk $0xffff, v0  }
0x26: {  	s9 =	sadd.s32 $0x1, s9  }
0x27: {  	p0 =	sne.s32 s9, s5  }
.Ltmp1:
0x28: {  	_ = 	snop;
	(pc) =	sbr.rel @p0 .LBB2_1-.Ltmp1, $4  }
0x29: {  	[hbm4b:s4+s2] =	stream.linear.scatter [tilespmem:s2], [sflag:$0x1], $0x2800, $0x38;
	[tilespmem:$0x2880] =	vst v63  }
0x2a: {  	_ =	swait.ge [sflag:s7], $0x2800  }
0x2b: {  	[sflag:s7] =	ssyncset.done $0x0  }
0x2c: {  	[sflag:s7] =	ssyncadd.s32 $0xFFFFD800  }
0x2d: {  	_ =	sfence.sel $0x180000  }
0x2e: {  	[bflag:$0x0] =	sbarrier.arrive $0xFFFF  }
0x2f: {  	p0 =	sne.s32 s1, $0x0;
	_ =	strace $0x90000047  }
0x30: {  	s0 =	sadd.s32 @!p0 $0x100000, s0;
	[bflag:$0x2] =	sbarrier.arrive $0xFFFF  }
0x31: {  	[sflag:s0] =	ssyncadd.tile.s32 @!p0 $0x1;
	_ =	shalt  }
.Lfunc_end2:
_tile_overlayer_lowered:
.L_overlay_start_2:
0x32: {  	(tag) =	ssettag $0x2  }
0x33: {  	s0 =	rddreg [dreg:$0x0];
	s2 =	stileid.u32  }
0x34: {  	s1 =	rddreg [dreg:$0x1];
	p0 =	sne.s32 s2, $0x0  }
0x35: {  	s3 =	rddreg [dreg:$0x2];
	[bflag:$0x3] =	sbarrier.arrive $0xFFFF;
	s2 =	simm.s32 @!p0 $0x1C01  }
0x36: {  	[timem:s3], [sflag:s2] =	dma.local @!p0 [hbm:s0], s1  }
0x37: {  	s0 =	simm.s32 @!p0 $0x1  }
0x38: {  	_ =	swait.ge @!p0 [sflag:s0], s1  }
0x39: {  	s1 =	ssub.s32 @!p0 $0x0, s1;
	[sflag:s0] =	ssyncset.done @!p0 $0x0  }
0x3a: {  	[sflag:s0] =	ssyncadd.s32 @!p0 s1  }
0x3b: {  	[bflag:$0x3] =	sbarrier.arrive $0xFFFF  }
0x3c: {  	_ =	shalt  }

</sc_bundles>
